<compile_context>
chip_gen: v7x
topology: tpu7x:2x2x1
jax: 0.10.2.dev20260603
libtpu: 0.0.44.dev20260713+nightly
codegen_flags: <defaults>
</compile_context>

<pallas_src>
import functools

import jax
import jax.numpy as jnp
from jax import lax
from jax.experimental import pallas as pl
from jax.experimental.pallas import tpu as pltpu
from jax.experimental.pallas import tpu_sc as plsc

N = 10000
NP = 10240
E = 320000
H = 128
B = 128
NSUB = 16
NB = 160
CHK = 16
NCH = NB // CHK
EP = NSUB * NB * B
ROWS = NP // NSUB
BLK = 640
GRID = NP // BLK
TBLK = 400
TGRID = N // TBLK
EPS_MSG = 1e-7
EPS_DEN = 1e-16
F32 = jnp.float32


def _dot(a, b):
    return jnp.dot(a, b, preferred_element_type=F32)


def _ln(v, g, b, eps=1e-5):
    mu = jnp.mean(v, axis=-1, keepdims=True)
    var = jnp.mean((v - mu) ** 2, axis=-1, keepdims=True)
    return (v - mu) * jax.lax.rsqrt(var + eps) * g + b


def _table(h, t):
    m = jnp.maximum(h, 0.0) + EPS_MSG
    p = jnp.exp(m * t)
    w = m * p
    return jnp.stack([
        jnp.concatenate([p[:, :64], w[:, :64]], axis=1),
        jnp.concatenate([p[:, 64:], w[:, 64:]], axis=1),
    ])


def _pre_body(x_ref, w_ref, b_ref, t_ref, h_ref, tab_ref):
    h = jnp.maximum(_dot(x_ref[...], w_ref[...]) + b_ref[...], 0.0)
    h_ref[...] = h
    tab_ref[...] = _table(h, t_ref[0, 0])


def _pre_call(xp, fc_w, fc_b, t0):
    return pl.pallas_call(
        _pre_body,
        grid=(GRID,),
        in_specs=[
            pl.BlockSpec((BLK, H), lambda i: (i, 0)),
            pl.BlockSpec((H, H), lambda i: (0, 0)),
            pl.BlockSpec((1, H), lambda i: (0, 0)),
            pl.BlockSpec((1, 1), lambda i: (0, 0)),
        ],
        out_specs=[
            pl.BlockSpec((BLK, H), lambda i: (i, 0)),
            pl.BlockSpec((2, BLK, H), lambda i: (0, i, 0)),
        ],
        out_shape=[
            jax.ShapeDtypeStruct((NP, H), F32),
            jax.ShapeDtypeStruct((2, NP, H), F32),
        ],
        compiler_params=pltpu.CompilerParams(
            dimension_semantics=("arbitrary",)),
    )(xp, fc_w, fc_b, t0)


def _agg_from_sw(sw0, sw1):
    return jnp.concatenate([
        sw0[:, 64:] / (sw0[:, :64] + EPS_DEN),
        sw1[:, 64:] / (sw1[:, :64] + EPS_DEN),
    ], axis=1)


def _mlp_body(sw_ref, h_ref, w1_ref, b1_ref, lng_ref, lnb_ref, w2_ref,
              b2_ref, nrmg_ref, nrmb_ref, t_ref, hn_ref, tab_ref, *, mode):
    agg = _agg_from_sw(sw_ref[0], sw_ref[1])
    y = agg + h_ref[...]
    hm = _dot(y, w1_ref[...]) + b1_ref[...]
    u = jnp.maximum(_ln(hm, lng_ref[...], lnb_ref[...]), 0.0)
    v = _dot(u, w2_ref[...]) + b2_ref[...]
    if mode == 0:
        hn = v
    else:
        hn = h_ref[...] + jnp.maximum(
            _ln(v, nrmg_ref[...], nrmb_ref[...]), 0.0)
    hn_ref[...] = hn
    if tab_ref is not None:
        tab_ref[...] = _table(hn, t_ref[0, 0])


def _mlp_body_notab(sw_ref, h_ref, w1_ref, b1_ref, lng_ref, lnb_ref, w2_ref,
                    b2_ref, nrmg_ref, nrmb_ref, hn_ref, *, mode):
    _mlp_body(sw_ref, h_ref, w1_ref, b1_ref, lng_ref, lnb_ref, w2_ref,
              b2_ref, nrmg_ref, nrmb_ref, None, hn_ref, None, mode=mode)


def _mlp_call(mode, sw, h, c, t_next):
    has_tab = t_next is not None
    in_specs = [
        pl.BlockSpec((2, BLK, H), lambda i: (0, i, 0)),
        pl.BlockSpec((BLK, H), lambda i: (i, 0)),
        pl.BlockSpec((H, 2 * H), lambda i: (0, 0)),
        pl.BlockSpec((1, 2 * H), lambda i: (0, 0)),
        pl.BlockSpec((1, 2 * H), lambda i: (0, 0)),
        pl.BlockSpec((1, 2 * H), lambda i: (0, 0)),
        pl.BlockSpec((2 * H, H), lambda i: (0, 0)),
        pl.BlockSpec((1, H), lambda i: (0, 0)),
        pl.BlockSpec((1, H), lambda i: (0, 0)),
        pl.BlockSpec((1, H), lambda i: (0, 0)),
    ]
    args = [sw, h, c["w1"], c["b1"].reshape(1, -1), c["ln_g"].reshape(1, -1),
            c["ln_b"].reshape(1, -1), c["w2"], c["b2"].reshape(1, -1),
            c["nrm_g"].reshape(1, -1), c["nrm_b"].reshape(1, -1)]
    out_specs = [pl.BlockSpec((BLK, H), lambda i: (i, 0))]
    out_shape = [jax.ShapeDtypeStruct((NP, H), F32)]
    if has_tab:
        in_specs.append(pl.BlockSpec((1, 1), lambda i: (0, 0)))
        args.append(t_next)
        out_specs.append(pl.BlockSpec((2, BLK, H), lambda i: (0, i, 0)))
        out_shape.append(jax.ShapeDtypeStruct((2, NP, H), F32))
        body = functools.partial(_mlp_body, mode=mode)
    else:
        body = functools.partial(_mlp_body_notab, mode=mode)
    res = pl.pallas_call(
        body,
        grid=(GRID,),
        in_specs=in_specs,
        out_specs=out_specs,
        out_shape=out_shape,
        compiler_params=pltpu.CompilerParams(
            dimension_semantics=("arbitrary",)),
    )(*args)
    return res if has_tab else (res[0], None)


def _tail_body(h0_ref, h1_ref, h2_ref, h3_ref, phiw_ref, phib_ref, aw_ref,
               ab_ref, bw_ref, bb_ref, cw_ref, cb_ref, rhow_ref, rhob_ref,
               clsw_ref, clsb_ref, out_ref, acc_ref, stat_ref):
    i = pl.program_id(0)

    @pl.when(i == 0)
    def _init():
        stat_ref[0] = -1e30
        stat_ref[1] = 0.0
        acc_ref[0:1, :] = jnp.zeros((1, 4 * H), F32)

    xc = jnp.concatenate(
        [h0_ref[...], h1_ref[...], h2_ref[...], h3_ref[...]], axis=1)
    hp = jnp.maximum(_dot(xc, phiw_ref[...]) + phib_ref[...], 0.0)
    a = jnp.tanh(_dot(hp, aw_ref[...]) + ab_ref[...])
    bg = jax.nn.sigmoid(_dot(hp, bw_ref[...]) + bb_ref[...])
    av = _dot(a * bg, cw_ref[...]) + cb_ref[...]
    tm = jnp.max(av)
    m_old = stat_ref[0]
    m_new = jnp.maximum(m_old, tm)
    alpha = jnp.exp(m_old - m_new)
    e = jnp.exp(av - m_new)
    stat_ref[0] = m_new
    stat_ref[1] = stat_ref[1] * alpha + jnp.sum(e)
    acc_ref[0:1, :] = acc_ref[0:1, :] * alpha + jnp.sum(
        e * hp, axis=0, keepdims=True)

    @pl.when(i == TGRID - 1)
    def _fin():
        hpool = acc_ref[0:1, :] / stat_ref[1]
        hres = jnp.maximum(_dot(hpool, rhow_ref[...]) + rhob_ref[...], 0.0)
        logit = _dot(hres, clsw_ref[...]) + clsb_ref[...]
        out_ref[...] = jax.nn.sigmoid(logit)


def _tail_call(h0, h1, h2, h3, p):
    D4 = 4 * H
    full = lambda r, c: pl.BlockSpec((r, c), lambda i: (0, 0))
    blk = pl.BlockSpec((TBLK, H), lambda i: (i, 0))
    return pl.pallas_call(
        _tail_body,
        grid=(TGRID,),
        in_specs=[blk, blk, blk, blk,
                  full(D4, D4), full(1, D4),
                  full(D4, D4), full(1, D4),
                  full(D4, D4), full(1, D4),
                  full(D4, 1), full(1, 1),
                  full(D4, D4), full(1, D4),
                  full(D4, 1), full(1, 1)],
        out_specs=pl.BlockSpec((1, 1), lambda i: (0, 0)),
        out_shape=jax.ShapeDtypeStruct((1, 1), F32),
        scratch_shapes=[
            pltpu.VMEM((8, D4), F32),
            pltpu.SMEM((2,), F32),
        ],
        compiler_params=pltpu.CompilerParams(
            dimension_semantics=("arbitrary",)),
    )(h0, h1, h2, h3,
      p["phi_w"], p["phi_b"].reshape(1, -1),
      p["aw"], p["ab"].reshape(1, -1),
      p["bw"], p["bb"].reshape(1, -1),
      p["cw"], p["cb"].reshape(1, -1),
      p["rho_w"], p["rho_b"].reshape(1, -1),
      p["cls_w"], p["cls_b"].reshape(1, -1))


@functools.cache
def _make_agg_kernel():
    mesh = plsc.VectorSubcoreMesh(core_axis_name="c", subcore_axis_name="s")

    @functools.partial(
        pl.kernel,
        mesh=mesh,
        out_type=jax.ShapeDtypeStruct((2, NP, H), F32),
        scratch_types=[
            pltpu.VMEM((CHK, B), jnp.int32),
            pltpu.VMEM((CHK, B), jnp.int32),
            pltpu.VMEM((B, H), F32),
            pltpu.VMEM_SHARED((NP, H), F32),
            pltpu.SemaphoreType.DMA,
        ],
    )
    def agg(tab, srcr, dstr, zeros, out, sidx, didx, buf, acc, sem):
        c = lax.axis_index("c")
        s = lax.axis_index("s")
        row0 = s * ROWS
        pltpu.sync_copy(zeros.at[pl.ds(row0, ROWS)],
                        acc.at[pl.ds(row0, ROWS)])
        plsc.subcore_barrier()

        def chunk(k, carry):
            pltpu.sync_copy(srcr.at[c, s, k], sidx)
            pltpu.sync_copy(dstr.at[s, k], didx)

            def body(j, carry2):
                pltpu.async_copy(tab.at[sidx.at[j]], buf, sem).wait()
                pltpu.sync_copy(buf, acc.at[didx.at[j]], add=True)
                return carry2

            return lax.fori_loop(0, CHK, body, carry)

        lax.fori_loop(0, NCH, chunk, 0)
        plsc.subcore_barrier()
        pltpu.sync_copy(acc.at[pl.ds(row0, ROWS)],
                        out.at[c, pl.ds(row0, ROWS)])

    return agg


def _agg_call(tab_flat, srcr, dstr, zeros):
    return _make_agg_kernel()(tab_flat, srcr, dstr, zeros)


def kernel(x, edge_index, batch, params):
    del batch
    xp = jnp.pad(x, ((0, NP - N), (0, 0)))
    src = edge_index[0]
    dst = edge_index[1]
    src_p = jnp.concatenate([src, jnp.zeros((EP - E,), jnp.int32)])
    dst_p = jnp.concatenate([dst, jnp.full((EP - E,), N, jnp.int32)])
    srcr = jnp.stack([src_p, src_p + NP]).reshape(2, NSUB, NCH, CHK, B)
    dstr = dst_p.reshape(NSUB, NCH, CHK, B)
    zeros = jnp.zeros((NP, H), F32)
    cs = params["convs"]
    ts = [c["t"].reshape(1, 1) for c in cs]

    h_fc, tab = _pre_call(xp, params["fc_w"], params["fc_b"].reshape(1, -1),
                          ts[0])
    sw = _agg_call(tab.reshape(2 * NP, H), srcr, dstr, zeros)
    h1, tab = _mlp_call(0, sw, h_fc, cs[0], ts[1])
    sw = _agg_call(tab.reshape(2 * NP, H), srcr, dstr, zeros)
    h2, tab = _mlp_call(1, sw, h1, cs[1], ts[2])
    sw = _agg_call(tab.reshape(2 * NP, H), srcr, dstr, zeros)
    h3, _ = _mlp_call(1, sw, h2, cs[2], None)
    return _tail_call(h_fc, h1, h2, h3, params)

# --- scband reference (transcript-rebuilt; emitter-appended) ---
"""Pipeline reference for scband-patch-gcn-surv-18605798326620 (READ-ONLY COPY).

The authoritative reference and input builder live on the scoring server;
editing this copy changes nothing except your own understanding.
"""

import jax, jax.numpy as jnp
import numpy as np

N = 10000
E = 320000
D_IN = 128
H = 128

def _w(key, shape, scale=0.05):
    return jax.random.normal(key, shape, dtype=jnp.float32) * scale

def _make_params(key):
    ks = iter(jax.random.split(key, 64))
    p = {}
    p["fc_w"] = _w(next(ks), (D_IN, H))
    p["fc_b"] = jnp.zeros((H,), jnp.float32)
    convs = []
    for _ in range(3):
        c = {
            "t": jnp.array(1.0, jnp.float32),
            "w1": _w(next(ks), (H, 2 * H)),
            "b1": jnp.zeros((2 * H,), jnp.float32),
            "ln_g": jnp.ones((2 * H,), jnp.float32),
            "ln_b": jnp.zeros((2 * H,), jnp.float32),
            "w2": _w(next(ks), (2 * H, H)),
            "b2": jnp.zeros((H,), jnp.float32),
            "nrm_g": jnp.ones((H,), jnp.float32),
            "nrm_b": jnp.zeros((H,), jnp.float32),
        }
        convs.append(c)
    p["convs"] = convs
    D4 = 4 * H
    p["phi_w"] = _w(next(ks), (D4, D4)); p["phi_b"] = jnp.zeros((D4,), jnp.float32)
    p["aw"] = _w(next(ks), (D4, D4)); p["ab"] = jnp.zeros((D4,), jnp.float32)
    p["bw"] = _w(next(ks), (D4, D4)); p["bb"] = jnp.zeros((D4,), jnp.float32)
    p["cw"] = _w(next(ks), (D4, 1)); p["cb"] = jnp.zeros((1,), jnp.float32)
    p["rho_w"] = _w(next(ks), (D4, D4)); p["rho_b"] = jnp.zeros((D4,), jnp.float32)
    p["cls_w"] = _w(next(ks), (D4, 1)); p["cls_b"] = jnp.zeros((1,), jnp.float32)
    return p

def setup_inputs(seed: int = 0):
    key = jax.random.key(seed)
    k1, k2, k3 = jax.random.split(key, 3)
    x = jax.random.normal(k1, (N, D_IN), dtype=jnp.float32)
    edge_index = jax.random.randint(k2, (2, E), 0, N, dtype=jnp.int32)
    batch = jnp.zeros((N,), jnp.int32)
    params = _make_params(k3)
    return {"x": x, "edge_index": edge_index, "batch": batch, "params": params}

def _layer_norm(x, g, b, eps=1e-5):
    mu = jnp.mean(x, axis=-1, keepdims=True)
    var = jnp.mean((x - mu) ** 2, axis=-1, keepdims=True)
    return (x - mu) / jnp.sqrt(var + eps) * g + b

def _segment_softmax(scores, seg, num_segments):
    m = jax.ops.segment_max(scores, seg, num_segments=num_segments)
    m = jnp.where(jnp.isfinite(m), m, 0.0)
    e = jnp.exp(scores - m[seg])
    s = jax.ops.segment_sum(e, seg, num_segments=num_segments)
    return e / (s[seg] + 1e-16)

def _gen_conv(x, src, dst, p):
    # GENConv(aggr='softmax', t learnable, eps=1e-7, MLP: Lin->LN->ReLU->Lin)
    msg = jax.nn.relu(x[src]) + 1e-7
    alpha = _segment_softmax(msg * p["t"], dst, N)
    agg = jax.ops.segment_sum(msg * alpha, dst, num_segments=N)
    out = agg + x
    h = out @ p["w1"] + p["b1"]
    h = _layer_norm(h, p["ln_g"], p["ln_b"])
    h = jax.nn.relu(h)
    h = h @ p["w2"] + p["b2"]
    return h

def _forward(x, edge_index, params):
    src = edge_index[0]
    dst = edge_index[1]
    # fc (dropout is identity at inference)
    h = jax.nn.relu(x @ params["fc_w"] + params["fc_b"])
    x_cat = h
    # layer 0: conv only (no norm/act/residual), per PatchGCN forward
    h = _gen_conv(h, src, dst, params["convs"][0])
    x_cat = jnp.concatenate([x_cat, h], axis=1)
    # layers 1..2: full DeepGCNLayer block='res': x + relu(LN(conv(x)))
    for i in (1, 2):
        p = params["convs"][i]
        out = _gen_conv(h, src, dst, p)
        out = _layer_norm(out, p["nrm_g"], p["nrm_b"])
        out = jax.nn.relu(out)
        h = h + out
        x_cat = jnp.concatenate([x_cat, h], axis=1)
    hp = jax.nn.relu(x_cat @ params["phi_w"] + params["phi_b"])
    a = jnp.tanh(hp @ params["aw"] + params["ab"])
    bgate = jax.nn.sigmoid(hp @ params["bw"] + params["bb"])
    A = (a * bgate) @ params["cw"] + params["cb"]
    A = jnp.transpose(A)
    A = jax.nn.softmax(A, axis=1)
    hpool = A @ hp
    hres = jax.nn.relu(hpool @ params["rho_w"] + params["rho_b"])
    hres = jnp.squeeze(hres)
    logits = (hres @ params["cls_w"] + params["cls_b"])[None, :]
    hazards = jax.nn.sigmoid(logits)
    return hazards

def reference(x, edge_index, batch, params):
    return _forward(x, edge_index, params)

if __name__ == "__main__":
    import jax
    _d = setup_inputs()
    print(jax.jit(kernel)(*tuple(_d.values())))

</pallas_src>

<mosaic_0001>
#map = affine_map<(d0, d1) -> (0, 0)>
#map1 = affine_map<(d0, d1) -> (0, 0, 0, 0, 0)>
#map2 = affine_map<(d0, d1) -> (0, 0, 0, 0)>
#map3 = affine_map<(d0, d1) -> (0, 0, 0)>
module attributes {stable_mosaic.version = 14 : i64} {
  func.func @agg(%arg0: i32, %arg1: i32, %arg2: memref<20480x128xf32, #tpu.memory_space<hbm>>, %arg3: memref<2x16x10x16x128xi32, #tpu.memory_space<hbm>>, %arg4: memref<16x10x16x128xi32, #tpu.memory_space<hbm>>, %arg5: memref<10240x128xf32, #tpu.memory_space<hbm>>, %arg6: memref<2x10240x128xf32, #tpu.memory_space<hbm>>, %arg7: memref<16x128xi32, #tpu.memory_space<vmem>>, %arg8: memref<16x128xi32, #tpu.memory_space<vmem>>, %arg9: memref<128x128xf32, #tpu.memory_space<vmem>>, %arg10: memref<10240x128xf32, #tpu.memory_space<vmem_shared>>, %arg11: memref<!tpu.dma_semaphore, #tpu.memory_space<semaphore_mem>>) attributes {dimension_semantics = [#tpu.dimension_semantics<core_parallel>, #tpu.dimension_semantics<subcore_parallel>], iteration_bounds = array<i64: 2, 16>, scalar_prefetch = 0 : i64, scratch_operands = 5 : i64, tpu.core_type = #tpu.core_type<sc_vector_subcore>, window_params = [{transform_indices = #map}, {transform_indices = #map1}, {transform_indices = #map2}, {transform_indices = #map}, {transform_indices = #map3}]} {
    %mul3A = arith.constant 640 : i32
    %mul3A_0 = arith.muli %arg1, %mul3A : i32
    "tpu.region"() ({
      %run_scoped3A = tpu.sem_alloc : memref<!tpu.dma_semaphore, #tpu.memory_space<semaphore_mem>>
      %dma_start3A = arith.constant 0 : i32
      %dma_start3A_7 = tpu.memref_slice %arg10[%mul3A_0, %dma_start3A] : memref<10240x128xf32, #tpu.memory_space<vmem_shared>> -> memref<640x128xf32, #tpu.memory_space<vmem_shared>>
      %dma_start3A_8 = arith.constant 0 : i32
      %dma_start3A_9 = tpu.memref_slice %arg5[%mul3A_0, %dma_start3A_8] : memref<10240x128xf32, #tpu.memory_space<hbm>> -> memref<640x128xf32, #tpu.memory_space<hbm>>
      tpu.enqueue_dma source(%dma_start3A_9 : memref<640x128xf32, #tpu.memory_space<hbm>>) target(%dma_start3A_7 : memref<640x128xf32, #tpu.memory_space<vmem_shared>>) target_semaphore(%run_scoped3A : memref<!tpu.dma_semaphore, #tpu.memory_space<semaphore_mem>>)
      %dma_wait3A = arith.constant 0 : i32
      %dma_wait3A_10 = tpu.memref_slice %arg10[%mul3A_0, %dma_wait3A] : memref<10240x128xf32, #tpu.memory_space<vmem_shared>> -> memref<640x128xf32, #tpu.memory_space<vmem_shared>>
      %dma_wait3A_11 = arith.constant 0 : i32
      %dma_wait3A_12 = tpu.memref_slice %arg5[%mul3A_0, %dma_wait3A_11] : memref<10240x128xf32, #tpu.memory_space<hbm>> -> memref<640x128xf32, #tpu.memory_space<hbm>>
      tpu.wait_dma2 semaphore(%run_scoped3A : memref<!tpu.dma_semaphore, #tpu.memory_space<semaphore_mem>>) src(%dma_wait3A_12 : memref<640x128xf32, #tpu.memory_space<hbm>>) dst(%dma_wait3A_10 : memref<640x128xf32, #tpu.memory_space<vmem_shared>>)
      tpu.yield
    }) : () -> ()
    %barrier3A = arith.constant 0 : index
    tpu.barrier barrier_id(%barrier3A)
    %scan3A = arith.constant 0 : i32
    %scan3A_1 = arith.constant 0 : i32
    %scan3A_2 = arith.constant 10 : i32
    %scan3A_3 = arith.addi %scan3A_1, %scan3A_2 : i32
    %scan3A_4 = arith.constant 1 : i32
    scf.for %scan3A_7 = %scan3A_1 to %scan3A_3 step %scan3A_4  : i32 {
      "tpu.region"() ({
        %run_scoped3A = tpu.sem_alloc : memref<!tpu.dma_semaphore, #tpu.memory_space<semaphore_mem>>
        %dma_start3A = arith.constant 0 : i32
        %dma_start3A_13 = arith.constant 0 : i32
        %dma_start3A_14 = tpu.memref_slice %arg3[%arg0, %arg1, %scan3A_7, %dma_start3A, %dma_start3A_13] : memref<2x16x10x16x128xi32, #tpu.memory_space<hbm>> -> memref<1x1x1x16x128xi32, #tpu.memory_space<hbm>>
        %dma_start3A_15 = tpu.memref_squeeze %dma_start3A_14 : memref<1x1x1x16x128xi32, #tpu.memory_space<hbm>> -> memref<16x128xi32, #tpu.memory_space<hbm>>
        %dma_start3A_16 = arith.constant 0 : i32
        %dma_start3A_17 = arith.constant 0 : i32
        %dma_start3A_18 = tpu.memref_slice %arg3[%arg0, %arg1, %scan3A_7, %dma_start3A_16, %dma_start3A_17] : memref<2x16x10x16x128xi32, #tpu.memory_space<hbm>> -> memref<1x1x1x16x128xi32, #tpu.memory_space<hbm>>
        %dma_start3A_19 = tpu.memref_squeeze %dma_start3A_18 : memref<1x1x1x16x128xi32, #tpu.memory_space<hbm>> -> memref<16x128xi32, #tpu.memory_space<hbm>>
        tpu.enqueue_dma source(%dma_start3A_19 : memref<16x128xi32, #tpu.memory_space<hbm>>) target(%arg7 : memref<16x128xi32, #tpu.memory_space<vmem>>) target_semaphore(%run_scoped3A : memref<!tpu.dma_semaphore, #tpu.memory_space<semaphore_mem>>)
        %dma_wait3A = arith.constant 0 : i32
        %dma_wait3A_20 = arith.constant 0 : i32
        %dma_wait3A_21 = tpu.memref_slice %arg3[%arg0, %arg1, %scan3A_7, %dma_wait3A, %dma_wait3A_20] : memref<2x16x10x16x128xi32, #tpu.memory_space<hbm>> -> memref<1x1x1x16x128xi32, #tpu.memory_space<hbm>>
        %dma_wait3A_22 = tpu.memref_squeeze %dma_wait3A_21 : memref<1x1x1x16x128xi32, #tpu.memory_space<hbm>> -> memref<16x128xi32, #tpu.memory_space<hbm>>
        %dma_wait3A_23 = arith.constant 0 : i32
        %dma_wait3A_24 = arith.constant 0 : i32
        %dma_wait3A_25 = tpu.memref_slice %arg3[%arg0, %arg1, %scan3A_7, %dma_wait3A_23, %dma_wait3A_24] : memref<2x16x10x16x128xi32, #tpu.memory_space<hbm>> -> memref<1x1x1x16x128xi32, #tpu.memory_space<hbm>>
        %dma_wait3A_26 = tpu.memref_squeeze %dma_wait3A_25 : memref<1x1x1x16x128xi32, #tpu.memory_space<hbm>> -> memref<16x128xi32, #tpu.memory_space<hbm>>
        tpu.wait_dma2 semaphore(%run_scoped3A : memref<!tpu.dma_semaphore, #tpu.memory_space<semaphore_mem>>) src(%dma_wait3A_26 : memref<16x128xi32, #tpu.memory_space<hbm>>) dst(%arg7 : memref<16x128xi32, #tpu.memory_space<vmem>>)
        tpu.yield
      }) : () -> ()
      "tpu.region"() ({
        %run_scoped3A = tpu.sem_alloc : memref<!tpu.dma_semaphore, #tpu.memory_space<semaphore_mem>>
        %dma_start3A = arith.constant 0 : i32
        %dma_start3A_13 = arith.constant 0 : i32
        %dma_start3A_14 = tpu.memref_slice %arg4[%arg1, %scan3A_7, %dma_start3A, %dma_start3A_13] : memref<16x10x16x128xi32, #tpu.memory_space<hbm>> -> memref<1x1x16x128xi32, #tpu.memory_space<hbm>>
        %dma_start3A_15 = tpu.memref_squeeze %dma_start3A_14 : memref<1x1x16x128xi32, #tpu.memory_space<hbm>> -> memref<16x128xi32, #tpu.memory_space<hbm>>
        %dma_start3A_16 = arith.constant 0 : i32
        %dma_start3A_17 = arith.constant 0 : i32
        %dma_start3A_18 = tpu.memref_slice %arg4[%arg1, %scan3A_7, %dma_start3A_16, %dma_start3A_17] : memref<16x10x16x128xi32, #tpu.memory_space<hbm>> -> memref<1x1x16x128xi32, #tpu.memory_space<hbm>>
        %dma_start3A_19 = tpu.memref_squeeze %dma_start3A_18 : memref<1x1x16x128xi32, #tpu.memory_space<hbm>> -> memref<16x128xi32, #tpu.memory_space<hbm>>
        tpu.enqueue_dma source(%dma_start3A_19 : memref<16x128xi32, #tpu.memory_space<hbm>>) target(%arg8 : memref<16x128xi32, #tpu.memory_space<vmem>>) target_semaphore(%run_scoped3A : memref<!tpu.dma_semaphore, #tpu.memory_space<semaphore_mem>>)
        %dma_wait3A = arith.constant 0 : i32
        %dma_wait3A_20 = arith.constant 0 : i32
        %dma_wait3A_21 = tpu.memref_slice %arg4[%arg1, %scan3A_7, %dma_wait3A, %dma_wait3A_20] : memref<16x10x16x128xi32, #tpu.memory_space<hbm>> -> memref<1x1x16x128xi32, #tpu.memory_space<hbm>>
        %dma_wait3A_22 = tpu.memref_squeeze %dma_wait3A_21 : memref<1x1x16x128xi32, #tpu.memory_space<hbm>> -> memref<16x128xi32, #tpu.memory_space<hbm>>
        %dma_wait3A_23 = arith.constant 0 : i32
        %dma_wait3A_24 = arith.constant 0 : i32
        %dma_wait3A_25 = tpu.memref_slice %arg4[%arg1, %scan3A_7, %dma_wait3A_23, %dma_wait3A_24] : memref<16x10x16x128xi32, #tpu.memory_space<hbm>> -> memref<1x1x16x128xi32, #tpu.memory_space<hbm>>
        %dma_wait3A_26 = tpu.memref_squeeze %dma_wait3A_25 : memref<1x1x16x128xi32, #tpu.memory_space<hbm>> -> memref<16x128xi32, #tpu.memory_space<hbm>>
        tpu.wait_dma2 semaphore(%run_scoped3A : memref<!tpu.dma_semaphore, #tpu.memory_space<semaphore_mem>>) src(%dma_wait3A_26 : memref<16x128xi32, #tpu.memory_space<hbm>>) dst(%arg8 : memref<16x128xi32, #tpu.memory_space<vmem>>)
        tpu.yield
      }) : () -> ()
      %scan3A_8 = arith.constant 0 : i32
      %scan3A_9 = arith.constant 16 : i32
      %scan3A_10 = arith.addi %scan3A_8, %scan3A_9 : i32
      %scan3A_11 = arith.constant 1 : i32
      scf.for %scan3A_13 = %scan3A_8 to %scan3A_10 step %scan3A_11  : i32 {
        %dma_start3A = arith.constant 0 : i32
        %dma_start3A_14 = tpu.memref_slice %arg7[%scan3A_13, %dma_start3A] : memref<16x128xi32, #tpu.memory_space<vmem>> -> memref<1x128xi32, #tpu.memory_space<vmem>>
        %dma_start3A_15 = tpu.memref_squeeze %dma_start3A_14 : memref<1x128xi32, #tpu.memory_space<vmem>> -> memref<128xi32, #tpu.memory_space<vmem>>
        %dma_start3A_16 = arith.constant 0 : i32
        %dma_start3A_17 = arith.constant 0 : i32
        %dma_start3A_18 = tpu.memref_slice %arg2[%dma_start3A_16, %dma_start3A_17] : memref<20480x128xf32, #tpu.memory_space<hbm>> -> memref<20480x128xf32, #tpu.memory_space<hbm>>
        tpu.enqueue_indirect_dma source(%dma_start3A_18 : memref<20480x128xf32, #tpu.memory_space<hbm>>) target(%arg9 : memref<128x128xf32, #tpu.memory_space<vmem>>) offsets(%dma_start3A_15 : memref<128xi32, #tpu.memory_space<vmem>>) semaphore(%arg11 : memref<!tpu.dma_semaphore, #tpu.memory_space<semaphore_mem>>)
        %dma_wait3A = arith.constant 0 : i32
        %dma_wait3A_19 = tpu.memref_slice %arg7[%scan3A_13, %dma_wait3A] : memref<16x128xi32, #tpu.memory_space<vmem>> -> memref<1x128xi32, #tpu.memory_space<vmem>>
        %dma_wait3A_20 = tpu.memref_squeeze %dma_wait3A_19 : memref<1x128xi32, #tpu.memory_space<vmem>> -> memref<128xi32, #tpu.memory_space<vmem>>
        %dma_wait3A_21 = arith.constant 0 : i32
        %dma_wait3A_22 = arith.constant 0 : i32
        %dma_wait3A_23 = tpu.memref_slice %arg2[%dma_wait3A_21, %dma_wait3A_22] : memref<20480x128xf32, #tpu.memory_space<hbm>> -> memref<20480x128xf32, #tpu.memory_space<hbm>>
        tpu.wait_indirect_dma semaphore(%arg11 : memref<!tpu.dma_semaphore, #tpu.memory_space<semaphore_mem>>) src(%dma_wait3A_23 : memref<20480x128xf32, #tpu.memory_space<hbm>>) dst(%arg9 : memref<128x128xf32, #tpu.memory_space<vmem>>)
        "tpu.region"() ({
          %run_scoped3A = tpu.sem_alloc : memref<!tpu.dma_semaphore, #tpu.memory_space<semaphore_mem>>
          %dma_start3A_24 = arith.constant 0 : i32
          %dma_start3A_25 = tpu.memref_slice %arg8[%scan3A_13, %dma_start3A_24] : memref<16x128xi32, #tpu.memory_space<vmem>> -> memref<1x128xi32, #tpu.memory_space<vmem>>
          %dma_start3A_26 = tpu.memref_squeeze %dma_start3A_25 : memref<1x128xi32, #tpu.memory_space<vmem>> -> memref<128xi32, #tpu.memory_space<vmem>>
          %dma_start3A_27 = arith.constant 0 : i32
          %dma_start3A_28 = arith.constant 0 : i32
          %dma_start3A_29 = tpu.memref_slice %arg10[%dma_start3A_27, %dma_start3A_28] : memref<10240x128xf32, #tpu.memory_space<vmem_shared>> -> memref<10240x128xf32, #tpu.memory_space<vmem_shared>>
          tpu.enqueue_indirect_dma source(%arg9 : memref<128x128xf32, #tpu.memory_space<vmem>>) target(%dma_start3A_29 : memref<10240x128xf32, #tpu.memory_space<vmem_shared>>) offsets(%dma_start3A_26 : memref<128xi32, #tpu.memory_space<vmem>>) semaphore(%run_scoped3A : memref<!tpu.dma_semaphore, #tpu.memory_space<semaphore_mem>>) {add = true}
          %dma_wait3A_30 = arith.constant 0 : i32
          %dma_wait3A_31 = tpu.memref_slice %arg8[%scan3A_13, %dma_wait3A_30] : memref<16x128xi32, #tpu.memory_space<vmem>> -> memref<1x128xi32, #tpu.memory_space<vmem>>
          %dma_wait3A_32 = tpu.memref_squeeze %dma_wait3A_31 : memref<1x128xi32, #tpu.memory_space<vmem>> -> memref<128xi32, #tpu.memory_space<vmem>>
          %dma_wait3A_33 = arith.constant 0 : i32
          %dma_wait3A_34 = arith.constant 0 : i32
          %dma_wait3A_35 = tpu.memref_slice %arg10[%dma_wait3A_33, %dma_wait3A_34] : memref<10240x128xf32, #tpu.memory_space<vmem_shared>> -> memref<10240x128xf32, #tpu.memory_space<vmem_shared>>
          tpu.wait_indirect_dma semaphore(%run_scoped3A : memref<!tpu.dma_semaphore, #tpu.memory_space<semaphore_mem>>) src(%arg9 : memref<128x128xf32, #tpu.memory_space<vmem>>) dst(%dma_wait3A_35 : memref<10240x128xf32, #tpu.memory_space<vmem_shared>>)
          tpu.yield
        }) : () -> ()
      }
      %scan3A_12 = arith.constant 16 : i32
    }
    %scan3A_5 = arith.constant 10 : i32
    %barrier3A_6 = arith.constant 0 : index
    tpu.barrier barrier_id(%barrier3A_6)
    "tpu.region"() ({
      %run_scoped3A = tpu.sem_alloc : memref<!tpu.dma_semaphore, #tpu.memory_space<semaphore_mem>>
      %dma_start3A = arith.constant 0 : i32
      %dma_start3A_7 = tpu.memref_slice %arg6[%arg0, %mul3A_0, %dma_start3A] : memref<2x10240x128xf32, #tpu.memory_space<hbm>> -> memref<1x640x128xf32, #tpu.memory_space<hbm>>
      %dma_start3A_8 = tpu.memref_squeeze %dma_start3A_7 : memref<1x640x128xf32, #tpu.memory_space<hbm>> -> memref<640x128xf32, #tpu.memory_space<hbm>>
      %dma_start3A_9 = arith.constant 0 : i32
      %dma_start3A_10 = tpu.memref_slice %arg10[%mul3A_0, %dma_start3A_9] : memref<10240x128xf32, #tpu.memory_space<vmem_shared>> -> memref<640x128xf32, #tpu.memory_space<vmem_shared>>
      tpu.enqueue_dma source(%dma_start3A_10 : memref<640x128xf32, #tpu.memory_space<vmem_shared>>) target(%dma_start3A_8 : memref<640x128xf32, #tpu.memory_space<hbm>>) target_semaphore(%run_scoped3A : memref<!tpu.dma_semaphore, #tpu.memory_space<semaphore_mem>>)
      %dma_wait3A = arith.constant 0 : i32
      %dma_wait3A_11 = tpu.memref_slice %arg6[%arg0, %mul3A_0, %dma_wait3A] : memref<2x10240x128xf32, #tpu.memory_space<hbm>> -> memref<1x640x128xf32, #tpu.memory_space<hbm>>
      %dma_wait3A_12 = tpu.memref_squeeze %dma_wait3A_11 : memref<1x640x128xf32, #tpu.memory_space<hbm>> -> memref<640x128xf32, #tpu.memory_space<hbm>>
      %dma_wait3A_13 = arith.constant 0 : i32
      %dma_wait3A_14 = tpu.memref_slice %arg10[%mul3A_0, %dma_wait3A_13] : memref<10240x128xf32, #tpu.memory_space<vmem_shared>> -> memref<640x128xf32, #tpu.memory_space<vmem_shared>>
      tpu.wait_dma2 semaphore(%run_scoped3A : memref<!tpu.dma_semaphore, #tpu.memory_space<semaphore_mem>>) src(%dma_wait3A_14 : memref<640x128xf32, #tpu.memory_space<vmem_shared>>) dst(%dma_wait3A_12 : memref<640x128xf32, #tpu.memory_space<hbm>>)
      tpu.yield
    }) : () -> ()
    return
  }
}

#map = affine_map<(d0, d1) -> (0, 0)>
#map1 = affine_map<(d0, d1) -> (0, 0, 0, 0, 0)>
#map2 = affine_map<(d0, d1) -> (0, 0, 0, 0)>
#map3 = affine_map<(d0, d1) -> (0, 0, 0)>
module attributes {stable_mosaic.version = 14 : i64} {
  func.func @agg(%arg0: i32, %arg1: i32, %arg2: memref<20480x128xf32, #tpu.memory_space<hbm>>, %arg3: memref<2x16x10x16x128xi32, #tpu.memory_space<hbm>>, %arg4: memref<16x10x16x128xi32, #tpu.memory_space<hbm>>, %arg5: memref<10240x128xf32, #tpu.memory_space<hbm>>, %arg6: memref<2x10240x128xf32, #tpu.memory_space<hbm>>, %arg7: memref<16x128xi32, #tpu.memory_space<vmem>>, %arg8: memref<16x128xi32, #tpu.memory_space<vmem>>, %arg9: memref<128x128xf32, #tpu.memory_space<vmem>>, %arg10: memref<10240x128xf32, #tpu.memory_space<vmem_shared>>, %arg11: memref<!tpu.dma_semaphore, #tpu.memory_space<semaphore_mem>>) attributes {dimension_semantics = [#tpu.dimension_semantics<core_parallel>, #tpu.dimension_semantics<subcore_parallel>], iteration_bounds = array<i64: 2, 16>, scalar_prefetch = 0 : i64, scratch_operands = 5 : i64, tpu.core_type = #tpu.core_type<sc_vector_subcore>, window_params = [{transform_indices = #map}, {transform_indices = #map1}, {transform_indices = #map2}, {transform_indices = #map}, {transform_indices = #map3}]} {
    %mul3A = arith.constant 640 : i32
    %mul3A_0 = arith.muli %arg1, %mul3A : i32
    "tpu.region"() ({
      %run_scoped3A = tpu.sem_alloc : memref<!tpu.dma_semaphore, #tpu.memory_space<semaphore_mem>>
      %dma_start3A = arith.constant 0 : i32
      %dma_start3A_7 = tpu.memref_slice %arg10[%mul3A_0, %dma_start3A] : memref<10240x128xf32, #tpu.memory_space<vmem_shared>> -> memref<640x128xf32, #tpu.memory_space<vmem_shared>>
      %dma_start3A_8 = arith.constant 0 : i32
      %dma_start3A_9 = tpu.memref_slice %arg5[%mul3A_0, %dma_start3A_8] : memref<10240x128xf32, #tpu.memory_space<hbm>> -> memref<640x128xf32, #tpu.memory_space<hbm>>
      tpu.enqueue_dma source(%dma_start3A_9 : memref<640x128xf32, #tpu.memory_space<hbm>>) target(%dma_start3A_7 : memref<640x128xf32, #tpu.memory_space<vmem_shared>>) target_semaphore(%run_scoped3A : memref<!tpu.dma_semaphore, #tpu.memory_space<semaphore_mem>>)
      %dma_wait3A = arith.constant 0 : i32
      %dma_wait3A_10 = tpu.memref_slice %arg10[%mul3A_0, %dma_wait3A] : memref<10240x128xf32, #tpu.memory_space<vmem_shared>> -> memref<640x128xf32, #tpu.memory_space<vmem_shared>>
      %dma_wait3A_11 = arith.constant 0 : i32
      %dma_wait3A_12 = tpu.memref_slice %arg5[%mul3A_0, %dma_wait3A_11] : memref<10240x128xf32, #tpu.memory_space<hbm>> -> memref<640x128xf32, #tpu.memory_space<hbm>>
      tpu.wait_dma2 semaphore(%run_scoped3A : memref<!tpu.dma_semaphore, #tpu.memory_space<semaphore_mem>>) src(%dma_wait3A_12 : memref<640x128xf32, #tpu.memory_space<hbm>>) dst(%dma_wait3A_10 : memref<640x128xf32, #tpu.memory_space<vmem_shared>>)
      tpu.yield
    }) : () -> ()
    %barrier3A = arith.constant 0 : index
    tpu.barrier barrier_id(%barrier3A)
    %scan3A = arith.constant 0 : i32
    %scan3A_1 = arith.constant 0 : i32
    %scan3A_2 = arith.constant 10 : i32
    %scan3A_3 = arith.addi %scan3A_1, %scan3A_2 : i32
    %scan3A_4 = arith.constant 1 : i32
    scf.for %scan3A_7 = %scan3A_1 to %scan3A_3 step %scan3A_4  : i32 {
      "tpu.region"() ({
        %run_scoped3A = tpu.sem_alloc : memref<!tpu.dma_semaphore, #tpu.memory_space<semaphore_mem>>
        %dma_start3A = arith.constant 0 : i32
        %dma_start3A_13 = arith.constant 0 : i32
        %dma_start3A_14 = tpu.memref_slice %arg3[%arg0, %arg1, %scan3A_7, %dma_start3A, %dma_start3A_13] : memref<2x16x10x16x128xi32, #tpu.memory_space<hbm>> -> memref<1x1x1x16x128xi32, #tpu.memory_space<hbm>>
        %dma_start3A_15 = tpu.memref_squeeze %dma_start3A_14 : memref<1x1x1x16x128xi32, #tpu.memory_space<hbm>> -> memref<16x128xi32, #tpu.memory_space<hbm>>
        %dma_start3A_16 = arith.constant 0 : i32
        %dma_start3A_17 = arith.constant 0 : i32
        %dma_start3A_18 = tpu.memref_slice %arg3[%arg0, %arg1, %scan3A_7, %dma_start3A_16, %dma_start3A_17] : memref<2x16x10x16x128xi32, #tpu.memory_space<hbm>> -> memref<1x1x1x16x128xi32, #tpu.memory_space<hbm>>
        %dma_start3A_19 = tpu.memref_squeeze %dma_start3A_18 : memref<1x1x1x16x128xi32, #tpu.memory_space<hbm>> -> memref<16x128xi32, #tpu.memory_space<hbm>>
        tpu.enqueue_dma source(%dma_start3A_19 : memref<16x128xi32, #tpu.memory_space<hbm>>) target(%arg7 : memref<16x128xi32, #tpu.memory_space<vmem>>) target_semaphore(%run_scoped3A : memref<!tpu.dma_semaphore, #tpu.memory_space<semaphore_mem>>)
        %dma_wait3A = arith.constant 0 : i32
        %dma_wait3A_20 = arith.constant 0 : i32
        %dma_wait3A_21 = tpu.memref_slice %arg3[%arg0, %arg1, %scan3A_7, %dma_wait3A, %dma_wait3A_20] : memref<2x16x10x16x128xi32, #tpu.memory_space<hbm>> -> memref<1x1x1x16x128xi32, #tpu.memory_space<hbm>>
        %dma_wait3A_22 = tpu.memref_squeeze %dma_wait3A_21 : memref<1x1x1x16x128xi32, #tpu.memory_space<hbm>> -> memref<16x128xi32, #tpu.memory_space<hbm>>
        %dma_wait3A_23 = arith.constant 0 : i32
        %dma_wait3A_24 = arith.constant 0 : i32
        %dma_wait3A_25 = tpu.memref_slice %arg3[%arg0, %arg1, %scan3A_7, %dma_wait3A_23, %dma_wait3A_24] : memref<2x16x10x16x128xi32, #tpu.memory_space<hbm>> -> memref<1x1x1x16x128xi32, #tpu.memory_space<hbm>>
        %dma_wait3A_26 = tpu.memref_squeeze %dma_wait3A_25 : memref<1x1x1x16x128xi32, #tpu.memory_space<hbm>> -> memref<16x128xi32, #tpu.memory_space<hbm>>
        tpu.wait_dma2 semaphore(%run_scoped3A : memref<!tpu.dma_semaphore, #tpu.memory_space<semaphore_mem>>) src(%dma_wait3A_26 : memref<16x128xi32, #tpu.memory_space<hbm>>) dst(%arg7 : memref<16x128xi32, #tpu.memory_space<vmem>>)
        tpu.yield
      }) : () -> ()
      "tpu.region"() ({
        %run_scoped3A = tpu.sem_alloc : memref<!tpu.dma_semaphore, #tpu.memory_space<semaphore_mem>>
        %dma_start3A = arith.constant 0 : i32
        %dma_start3A_13 = arith.constant 0 : i32
        %dma_start3A_14 = tpu.memref_slice %arg4[%arg1, %scan3A_7, %dma_start3A, %dma_start3A_13] : memref<16x10x16x128xi32, #tpu.memory_space<hbm>> -> memref<1x1x16x128xi32, #tpu.memory_space<hbm>>
        %dma_start3A_15 = tpu.memref_squeeze %dma_start3A_14 : memref<1x1x16x128xi32, #tpu.memory_space<hbm>> -> memref<16x128xi32, #tpu.memory_space<hbm>>
        %dma_start3A_16 = arith.constant 0 : i32
        %dma_start3A_17 = arith.constant 0 : i32
        %dma_start3A_18 = tpu.memref_slice %arg4[%arg1, %scan3A_7, %dma_start3A_16, %dma_start3A_17] : memref<16x10x16x128xi32, #tpu.memory_space<hbm>> -> memref<1x1x16x128xi32, #tpu.memory_space<hbm>>
        %dma_start3A_19 = tpu.memref_squeeze %dma_start3A_18 : memref<1x1x16x128xi32, #tpu.memory_space<hbm>> -> memref<16x128xi32, #tpu.memory_space<hbm>>
        tpu.enqueue_dma source(%dma_start3A_19 : memref<16x128xi32, #tpu.memory_space<hbm>>) target(%arg8 : memref<16x128xi32, #tpu.memory_space<vmem>>) target_semaphore(%run_scoped3A : memref<!tpu.dma_semaphore, #tpu.memory_space<semaphore_mem>>)
        %dma_wait3A = arith.constant 0 : i32
        %dma_wait3A_20 = arith.constant 0 : i32
        %dma_wait3A_21 = tpu.memref_slice %arg4[%arg1, %scan3A_7, %dma_wait3A, %dma_wait3A_20] : memref<16x10x16x128xi32, #tpu.memory_space<hbm>> -> memref<1x1x16x128xi32, #tpu.memory_space<hbm>>
        %dma_wait3A_22 = tpu.memref_squeeze %dma_wait3A_21 : memref<1x1x16x128xi32, #tpu.memory_space<hbm>> -> memref<16x128xi32, #tpu.memory_space<hbm>>
        %dma_wait3A_23 = arith.constant 0 : i32
        %dma_wait3A_24 = arith.constant 0 : i32
        %dma_wait3A_25 = tpu.memref_slice %arg4[%arg1, %scan3A_7, %dma_wait3A_23, %dma_wait3A_24] : memref<16x10x16x128xi32, #tpu.memory_space<hbm>> -> memref<1x1x16x128xi32, #tpu.memory_space<hbm>>
        %dma_wait3A_26 = tpu.memref_squeeze %dma_wait3A_25 : memref<1x1x16x128xi32, #tpu.memory_space<hbm>> -> memref<16x128xi32, #tpu.memory_space<hbm>>
        tpu.wait_dma2 semaphore(%run_scoped3A : memref<!tpu.dma_semaphore, #tpu.memory_space<semaphore_mem>>) src(%dma_wait3A_26 : memref<16x128xi32, #tpu.memory_space<hbm>>) dst(%arg8 : memref<16x128xi32, #tpu.memory_space<vmem>>)
        tpu.yield
      }) : () -> ()
      %scan3A_8 = arith.constant 0 : i32
      %scan3A_9 = arith.constant 16 : i32
      %scan3A_10 = arith.addi %scan3A_8, %scan3A_9 : i32
      %scan3A_11 = arith.constant 1 : i32
      scf.for %scan3A_13 = %scan3A_8 to %scan3A_10 step %scan3A_11  : i32 {
        %dma_start3A = arith.constant 0 : i32
        %dma_start3A_14 = tpu.memref_slice %arg7[%scan3A_13, %dma_start3A] : memref<16x128xi32, #tpu.memory_space<vmem>> -> memref<1x128xi32, #tpu.memory_space<vmem>>
        %dma_start3A_15 = tpu.memref_squeeze %dma_start3A_14 : memref<1x128xi32, #tpu.memory_space<vmem>> -> memref<128xi32, #tpu.memory_space<vmem>>
        %dma_start3A_16 = arith.constant 0 : i32
        %dma_start3A_17 = arith.constant 0 : i32
        %dma_start3A_18 = tpu.memref_slice %arg2[%dma_start3A_16, %dma_start3A_17] : memref<20480x128xf32, #tpu.memory_space<hbm>> -> memref<20480x128xf32, #tpu.memory_space<hbm>>
        tpu.enqueue_indirect_dma source(%dma_start3A_18 : memref<20480x128xf32, #tpu.memory_space<hbm>>) target(%arg9 : memref<128x128xf32, #tpu.memory_space<vmem>>) offsets(%dma_start3A_15 : memref<128xi32, #tpu.memory_space<vmem>>) semaphore(%arg11 : memref<!tpu.dma_semaphore, #tpu.memory_space<semaphore_mem>>)
        %dma_wait3A = arith.constant 0 : i32
        %dma_wait3A_19 = tpu.memref_slice %arg7[%scan3A_13, %dma_wait3A] : memref<16x128xi32, #tpu.memory_space<vmem>> -> memref<1x128xi32, #tpu.memory_space<vmem>>
        %dma_wait3A_20 = tpu.memref_squeeze %dma_wait3A_19 : memref<1x128xi32, #tpu.memory_space<vmem>> -> memref<128xi32, #tpu.memory_space<vmem>>
        %dma_wait3A_21 = arith.constant 0 : i32
        %dma_wait3A_22 = arith.constant 0 : i32
        %dma_wait3A_23 = tpu.memref_slice %arg2[%dma_wait3A_21, %dma_wait3A_22] : memref<20480x128xf32, #tpu.memory_space<hbm>> -> memref<20480x128xf32, #tpu.memory_space<hbm>>
        tpu.wait_indirect_dma semaphore(%arg11 : memref<!tpu.dma_semaphore, #tpu.memory_space<semaphore_mem>>) src(%dma_wait3A_23 : memref<20480x128xf32, #tpu.memory_space<hbm>>) dst(%arg9 : memref<128x128xf32, #tpu.memory_space<vmem>>)
        "tpu.region"() ({
          %run_scoped3A = tpu.sem_alloc : memref<!tpu.dma_semaphore, #tpu.memory_space<semaphore_mem>>
          %dma_start3A_24 = arith.constant 0 : i32
          %dma_start3A_25 = tpu.memref_slice %arg8[%scan3A_13, %dma_start3A_24] : memref<16x128xi32, #tpu.memory_space<vmem>> -> memref<1x128xi32, #tpu.memory_space<vmem>>
          %dma_start3A_26 = tpu.memref_squeeze %dma_start3A_25 : memref<1x128xi32, #tpu.memory_space<vmem>> -> memref<128xi32, #tpu.memory_space<vmem>>
          %dma_start3A_27 = arith.constant 0 : i32
          %dma_start3A_28 = arith.constant 0 : i32
          %dma_start3A_29 = tpu.memref_slice %arg10[%dma_start3A_27, %dma_start3A_28] : memref<10240x128xf32, #tpu.memory_space<vmem_shared>> -> memref<10240x128xf32, #tpu.memory_space<vmem_shared>>
          tpu.enqueue_indirect_dma source(%arg9 : memref<128x128xf32, #tpu.memory_space<vmem>>) target(%dma_start3A_29 : memref<10240x128xf32, #tpu.memory_space<vmem_shared>>) offsets(%dma_start3A_26 : memref<128xi32, #tpu.memory_space<vmem>>) semaphore(%run_scoped3A : memref<!tpu.dma_semaphore, #tpu.memory_space<semaphore_mem>>) {add = true}
          %dma_wait3A_30 = arith.constant 0 : i32
          %dma_wait3A_31 = tpu.memref_slice %arg8[%scan3A_13, %dma_wait3A_30] : memref<16x128xi32, #tpu.memory_space<vmem>> -> memref<1x128xi32, #tpu.memory_space<vmem>>
          %dma_wait3A_32 = tpu.memref_squeeze %dma_wait3A_31 : memref<1x128xi32, #tpu.memory_space<vmem>> -> memref<128xi32, #tpu.memory_space<vmem>>
          %dma_wait3A_33 = arith.constant 0 : i32
          %dma_wait3A_34 = arith.constant 0 : i32
          %dma_wait3A_35 = tpu.memref_slice %arg10[%dma_wait3A_33, %dma_wait3A_34] : memref<10240x128xf32, #tpu.memory_space<vmem_shared>> -> memref<10240x128xf32, #tpu.memory_space<vmem_shared>>
          tpu.wait_indirect_dma semaphore(%run_scoped3A : memref<!tpu.dma_semaphore, #tpu.memory_space<semaphore_mem>>) src(%arg9 : memref<128x128xf32, #tpu.memory_space<vmem>>) dst(%dma_wait3A_35 : memref<10240x128xf32, #tpu.memory_space<vmem_shared>>)
          tpu.yield
        }) : () -> ()
      }
      %scan3A_12 = arith.constant 16 : i32
    }
    %scan3A_5 = arith.constant 10 : i32
    %barrier3A_6 = arith.constant 0 : index
    tpu.barrier barrier_id(%barrier3A_6)
    "tpu.region"() ({
      %run_scoped3A = tpu.sem_alloc : memref<!tpu.dma_semaphore, #tpu.memory_space<semaphore_mem>>
      %dma_start3A = arith.constant 0 : i32
      %dma_start3A_7 = tpu.memref_slice %arg6[%arg0, %mul3A_0, %dma_start3A] : memref<2x10240x128xf32, #tpu.memory_space<hbm>> -> memref<1x640x128xf32, #tpu.memory_space<hbm>>
      %dma_start3A_8 = tpu.memref_squeeze %dma_start3A_7 : memref<1x640x128xf32, #tpu.memory_space<hbm>> -> memref<640x128xf32, #tpu.memory_space<hbm>>
      %dma_start3A_9 = arith.constant 0 : i32
      %dma_start3A_10 = tpu.memref_slice %arg10[%mul3A_0, %dma_start3A_9] : memref<10240x128xf32, #tpu.memory_space<vmem_shared>> -> memref<640x128xf32, #tpu.memory_space<vmem_shared>>
      tpu.enqueue_dma source(%dma_start3A_10 : memref<640x128xf32, #tpu.memory_space<vmem_shared>>) target(%dma_start3A_8 : memref<640x128xf32, #tpu.memory_space<hbm>>) target_semaphore(%run_scoped3A : memref<!tpu.dma_semaphore, #tpu.memory_space<semaphore_mem>>)
      %dma_wait3A = arith.constant 0 : i32
      %dma_wait3A_11 = tpu.memref_slice %arg6[%arg0, %mul3A_0, %dma_wait3A] : memref<2x10240x128xf32, #tpu.memory_space<hbm>> -> memref<1x640x128xf32, #tpu.memory_space<hbm>>
      %dma_wait3A_12 = tpu.memref_squeeze %dma_wait3A_11 : memref<1x640x128xf32, #tpu.memory_space<hbm>> -> memref<640x128xf32, #tpu.memory_space<hbm>>
      %dma_wait3A_13 = arith.constant 0 : i32
      %dma_wait3A_14 = tpu.memref_slice %arg10[%mul3A_0, %dma_wait3A_13] : memref<10240x128xf32, #tpu.memory_space<vmem_shared>> -> memref<640x128xf32, #tpu.memory_space<vmem_shared>>
      tpu.wait_dma2 semaphore(%run_scoped3A : memref<!tpu.dma_semaphore, #tpu.memory_space<semaphore_mem>>) src(%dma_wait3A_14 : memref<640x128xf32, #tpu.memory_space<vmem_shared>>) dst(%dma_wait3A_12 : memref<640x128xf32, #tpu.memory_space<hbm>>)
      tpu.yield
    }) : () -> ()
    return
  }
}

#map = affine_map<(d0, d1) -> (0, 0)>
#map1 = affine_map<(d0, d1) -> (0, 0, 0, 0, 0)>
#map2 = affine_map<(d0, d1) -> (0, 0, 0, 0)>
#map3 = affine_map<(d0, d1) -> (0, 0, 0)>
module attributes {stable_mosaic.version = 14 : i64} {
  func.func @agg(%arg0: i32, %arg1: i32, %arg2: memref<20480x128xf32, #tpu.memory_space<hbm>>, %arg3: memref<2x16x10x16x128xi32, #tpu.memory_space<hbm>>, %arg4: memref<16x10x16x128xi32, #tpu.memory_space<hbm>>, %arg5: memref<10240x128xf32, #tpu.memory_space<hbm>>, %arg6: memref<2x10240x128xf32, #tpu.memory_space<hbm>>, %arg7: memref<16x128xi32, #tpu.memory_space<vmem>>, %arg8: memref<16x128xi32, #tpu.memory_space<vmem>>, %arg9: memref<128x128xf32, #tpu.memory_space<vmem>>, %arg10: memref<10240x128xf32, #tpu.memory_space<vmem_shared>>, %arg11: memref<!tpu.dma_semaphore, #tpu.memory_space<semaphore_mem>>) attributes {dimension_semantics = [#tpu.dimension_semantics<core_parallel>, #tpu.dimension_semantics<subcore_parallel>], iteration_bounds = array<i64: 2, 16>, scalar_prefetch = 0 : i64, scratch_operands = 5 : i64, tpu.core_type = #tpu.core_type<sc_vector_subcore>, window_params = [{transform_indices = #map}, {transform_indices = #map1}, {transform_indices = #map2}, {transform_indices = #map}, {transform_indices = #map3}]} {
    %mul3A = arith.constant 640 : i32
    %mul3A_0 = arith.muli %arg1, %mul3A : i32
    "tpu.region"() ({
      %run_scoped3A = tpu.sem_alloc : memref<!tpu.dma_semaphore, #tpu.memory_space<semaphore_mem>>
      %dma_start3A = arith.constant 0 : i32
      %dma_start3A_7 = tpu.memref_slice %arg10[%mul3A_0, %dma_start3A] : memref<10240x128xf32, #tpu.memory_space<vmem_shared>> -> memref<640x128xf32, #tpu.memory_space<vmem_shared>>
      %dma_start3A_8 = arith.constant 0 : i32
      %dma_start3A_9 = tpu.memref_slice %arg5[%mul3A_0, %dma_start3A_8] : memref<10240x128xf32, #tpu.memory_space<hbm>> -> memref<640x128xf32, #tpu.memory_space<hbm>>
      tpu.enqueue_dma source(%dma_start3A_9 : memref<640x128xf32, #tpu.memory_space<hbm>>) target(%dma_start3A_7 : memref<640x128xf32, #tpu.memory_space<vmem_shared>>) target_semaphore(%run_scoped3A : memref<!tpu.dma_semaphore, #tpu.memory_space<semaphore_mem>>)
      %dma_wait3A = arith.constant 0 : i32
      %dma_wait3A_10 = tpu.memref_slice %arg10[%mul3A_0, %dma_wait3A] : memref<10240x128xf32, #tpu.memory_space<vmem_shared>> -> memref<640x128xf32, #tpu.memory_space<vmem_shared>>
      %dma_wait3A_11 = arith.constant 0 : i32
      %dma_wait3A_12 = tpu.memref_slice %arg5[%mul3A_0, %dma_wait3A_11] : memref<10240x128xf32, #tpu.memory_space<hbm>> -> memref<640x128xf32, #tpu.memory_space<hbm>>
      tpu.wait_dma2 semaphore(%run_scoped3A : memref<!tpu.dma_semaphore, #tpu.memory_space<semaphore_mem>>) src(%dma_wait3A_12 : memref<640x128xf32, #tpu.memory_space<hbm>>) dst(%dma_wait3A_10 : memref<640x128xf32, #tpu.memory_space<vmem_shared>>)
      tpu.yield
    }) : () -> ()
    %barrier3A = arith.constant 0 : index
    tpu.barrier barrier_id(%barrier3A)
    %scan3A = arith.constant 0 : i32
    %scan3A_1 = arith.constant 0 : i32
    %scan3A_2 = arith.constant 10 : i32
    %scan3A_3 = arith.addi %scan3A_1, %scan3A_2 : i32
    %scan3A_4 = arith.constant 1 : i32
    scf.for %scan3A_7 = %scan3A_1 to %scan3A_3 step %scan3A_4  : i32 {
      "tpu.region"() ({
        %run_scoped3A = tpu.sem_alloc : memref<!tpu.dma_semaphore, #tpu.memory_space<semaphore_mem>>
        %dma_start3A = arith.constant 0 : i32
        %dma_start3A_13 = arith.constant 0 : i32
        %dma_start3A_14 = tpu.memref_slice %arg3[%arg0, %arg1, %scan3A_7, %dma_start3A, %dma_start3A_13] : memref<2x16x10x16x128xi32, #tpu.memory_space<hbm>> -> memref<1x1x1x16x128xi32, #tpu.memory_space<hbm>>
        %dma_start3A_15 = tpu.memref_squeeze %dma_start3A_14 : memref<1x1x1x16x128xi32, #tpu.memory_space<hbm>> -> memref<16x128xi32, #tpu.memory_space<hbm>>
        %dma_start3A_16 = arith.constant 0 : i32
        %dma_start3A_17 = arith.constant 0 : i32
        %dma_start3A_18 = tpu.memref_slice %arg3[%arg0, %arg1, %scan3A_7, %dma_start3A_16, %dma_start3A_17] : memref<2x16x10x16x128xi32, #tpu.memory_space<hbm>> -> memref<1x1x1x16x128xi32, #tpu.memory_space<hbm>>
        %dma_start3A_19 = tpu.memref_squeeze %dma_start3A_18 : memref<1x1x1x16x128xi32, #tpu.memory_space<hbm>> -> memref<16x128xi32, #tpu.memory_space<hbm>>
        tpu.enqueue_dma source(%dma_start3A_19 : memref<16x128xi32, #tpu.memory_space<hbm>>) target(%arg7 : memref<16x128xi32, #tpu.memory_space<vmem>>) target_semaphore(%run_scoped3A : memref<!tpu.dma_semaphore, #tpu.memory_space<semaphore_mem>>)
        %dma_wait3A = arith.constant 0 : i32
        %dma_wait3A_20 = arith.constant 0 : i32
        %dma_wait3A_21 = tpu.memref_slice %arg3[%arg0, %arg1, %scan3A_7, %dma_wait3A, %dma_wait3A_20] : memref<2x16x10x16x128xi32, #tpu.memory_space<hbm>> -> memref<1x1x1x16x128xi32, #tpu.memory_space<hbm>>
        %dma_wait3A_22 = tpu.memref_squeeze %dma_wait3A_21 : memref<1x1x1x16x128xi32, #tpu.memory_space<hbm>> -> memref<16x128xi32, #tpu.memory_space<hbm>>
        %dma_wait3A_23 = arith.constant 0 : i32
        %dma_wait3A_24 = arith.constant 0 : i32
        %dma_wait3A_25 = tpu.memref_slice %arg3[%arg0, %arg1, %scan3A_7, %dma_wait3A_23, %dma_wait3A_24] : memref<2x16x10x16x128xi32, #tpu.memory_space<hbm>> -> memref<1x1x1x16x128xi32, #tpu.memory_space<hbm>>
        %dma_wait3A_26 = tpu.memref_squeeze %dma_wait3A_25 : memref<1x1x1x16x128xi32, #tpu.memory_space<hbm>> -> memref<16x128xi32, #tpu.memory_space<hbm>>
        tpu.wait_dma2 semaphore(%run_scoped3A : memref<!tpu.dma_semaphore, #tpu.memory_space<semaphore_mem>>) src(%dma_wait3A_26 : memref<16x128xi32, #tpu.memory_space<hbm>>) dst(%arg7 : memref<16x128xi32, #tpu.memory_space<vmem>>)
        tpu.yield
      }) : () -> ()
      "tpu.region"() ({
        %run_scoped3A = tpu.sem_alloc : memref<!tpu.dma_semaphore, #tpu.memory_space<semaphore_mem>>
        %dma_start3A = arith.constant 0 : i32
        %dma_start3A_13 = arith.constant 0 : i32
        %dma_start3A_14 = tpu.memref_slice %arg4[%arg1, %scan3A_7, %dma_start3A, %dma_start3A_13] : memref<16x10x16x128xi32, #tpu.memory_space<hbm>> -> memref<1x1x16x128xi32, #tpu.memory_space<hbm>>
        %dma_start3A_15 = tpu.memref_squeeze %dma_start3A_14 : memref<1x1x16x128xi32, #tpu.memory_space<hbm>> -> memref<16x128xi32, #tpu.memory_space<hbm>>
        %dma_start3A_16 = arith.constant 0 : i32
        %dma_start3A_17 = arith.constant 0 : i32
        %dma_start3A_18 = tpu.memref_slice %arg4[%arg1, %scan3A_7, %dma_start3A_16, %dma_start3A_17] : memref<16x10x16x128xi32, #tpu.memory_space<hbm>> -> memref<1x1x16x128xi32, #tpu.memory_space<hbm>>
        %dma_start3A_19 = tpu.memref_squeeze %dma_start3A_18 : memref<1x1x16x128xi32, #tpu.memory_space<hbm>> -> memref<16x128xi32, #tpu.memory_space<hbm>>
        tpu.enqueue_dma source(%dma_start3A_19 : memref<16x128xi32, #tpu.memory_space<hbm>>) target(%arg8 : memref<16x128xi32, #tpu.memory_space<vmem>>) target_semaphore(%run_scoped3A : memref<!tpu.dma_semaphore, #tpu.memory_space<semaphore_mem>>)
        %dma_wait3A = arith.constant 0 : i32
        %dma_wait3A_20 = arith.constant 0 : i32
        %dma_wait3A_21 = tpu.memref_slice %arg4[%arg1, %scan3A_7, %dma_wait3A, %dma_wait3A_20] : memref<16x10x16x128xi32, #tpu.memory_space<hbm>> -> memref<1x1x16x128xi32, #tpu.memory_space<hbm>>
        %dma_wait3A_22 = tpu.memref_squeeze %dma_wait3A_21 : memref<1x1x16x128xi32, #tpu.memory_space<hbm>> -> memref<16x128xi32, #tpu.memory_space<hbm>>
        %dma_wait3A_23 = arith.constant 0 : i32
        %dma_wait3A_24 = arith.constant 0 : i32
        %dma_wait3A_25 = tpu.memref_slice %arg4[%arg1, %scan3A_7, %dma_wait3A_23, %dma_wait3A_24] : memref<16x10x16x128xi32, #tpu.memory_space<hbm>> -> memref<1x1x16x128xi32, #tpu.memory_space<hbm>>
        %dma_wait3A_26 = tpu.memref_squeeze %dma_wait3A_25 : memref<1x1x16x128xi32, #tpu.memory_space<hbm>> -> memref<16x128xi32, #tpu.memory_space<hbm>>
        tpu.wait_dma2 semaphore(%run_scoped3A : memref<!tpu.dma_semaphore, #tpu.memory_space<semaphore_mem>>) src(%dma_wait3A_26 : memref<16x128xi32, #tpu.memory_space<hbm>>) dst(%arg8 : memref<16x128xi32, #tpu.memory_space<vmem>>)
        tpu.yield
      }) : () -> ()
      %scan3A_8 = arith.constant 0 : i32
      %scan3A_9 = arith.constant 16 : i32
      %scan3A_10 = arith.addi %scan3A_8, %scan3A_9 : i32
      %scan3A_11 = arith.constant 1 : i32
      scf.for %scan3A_13 = %scan3A_8 to %scan3A_10 step %scan3A_11  : i32 {
        %dma_start3A = arith.constant 0 : i32
        %dma_start3A_14 = tpu.memref_slice %arg7[%scan3A_13, %dma_start3A] : memref<16x128xi32, #tpu.memory_space<vmem>> -> memref<1x128xi32, #tpu.memory_space<vmem>>
        %dma_start3A_15 = tpu.memref_squeeze %dma_start3A_14 : memref<1x128xi32, #tpu.memory_space<vmem>> -> memref<128xi32, #tpu.memory_space<vmem>>
        %dma_start3A_16 = arith.constant 0 : i32
        %dma_start3A_17 = arith.constant 0 : i32
        %dma_start3A_18 = tpu.memref_slice %arg2[%dma_start3A_16, %dma_start3A_17] : memref<20480x128xf32, #tpu.memory_space<hbm>> -> memref<20480x128xf32, #tpu.memory_space<hbm>>
        tpu.enqueue_indirect_dma source(%dma_start3A_18 : memref<20480x128xf32, #tpu.memory_space<hbm>>) target(%arg9 : memref<128x128xf32, #tpu.memory_space<vmem>>) offsets(%dma_start3A_15 : memref<128xi32, #tpu.memory_space<vmem>>) semaphore(%arg11 : memref<!tpu.dma_semaphore, #tpu.memory_space<semaphore_mem>>)
        %dma_wait3A = arith.constant 0 : i32
        %dma_wait3A_19 = tpu.memref_slice %arg7[%scan3A_13, %dma_wait3A] : memref<16x128xi32, #tpu.memory_space<vmem>> -> memref<1x128xi32, #tpu.memory_space<vmem>>
        %dma_wait3A_20 = tpu.memref_squeeze %dma_wait3A_19 : memref<1x128xi32, #tpu.memory_space<vmem>> -> memref<128xi32, #tpu.memory_space<vmem>>
        %dma_wait3A_21 = arith.constant 0 : i32
        %dma_wait3A_22 = arith.constant 0 : i32
        %dma_wait3A_23 = tpu.memref_slice %arg2[%dma_wait3A_21, %dma_wait3A_22] : memref<20480x128xf32, #tpu.memory_space<hbm>> -> memref<20480x128xf32, #tpu.memory_space<hbm>>
        tpu.wait_indirect_dma semaphore(%arg11 : memref<!tpu.dma_semaphore, #tpu.memory_space<semaphore_mem>>) src(%dma_wait3A_23 : memref<20480x128xf32, #tpu.memory_space<hbm>>) dst(%arg9 : memref<128x128xf32, #tpu.memory_space<vmem>>)
        "tpu.region"() ({
          %run_scoped3A = tpu.sem_alloc : memref<!tpu.dma_semaphore, #tpu.memory_space<semaphore_mem>>
          %dma_start3A_24 = arith.constant 0 : i32
          %dma_start3A_25 = tpu.memref_slice %arg8[%scan3A_13, %dma_start3A_24] : memref<16x128xi32, #tpu.memory_space<vmem>> -> memref<1x128xi32, #tpu.memory_space<vmem>>
          %dma_start3A_26 = tpu.memref_squeeze %dma_start3A_25 : memref<1x128xi32, #tpu.memory_space<vmem>> -> memref<128xi32, #tpu.memory_space<vmem>>
          %dma_start3A_27 = arith.constant 0 : i32
          %dma_start3A_28 = arith.constant 0 : i32
          %dma_start3A_29 = tpu.memref_slice %arg10[%dma_start3A_27, %dma_start3A_28] : memref<10240x128xf32, #tpu.memory_space<vmem_shared>> -> memref<10240x128xf32, #tpu.memory_space<vmem_shared>>
          tpu.enqueue_indirect_dma source(%arg9 : memref<128x128xf32, #tpu.memory_space<vmem>>) target(%dma_start3A_29 : memref<10240x128xf32, #tpu.memory_space<vmem_shared>>) offsets(%dma_start3A_26 : memref<128xi32, #tpu.memory_space<vmem>>) semaphore(%run_scoped3A : memref<!tpu.dma_semaphore, #tpu.memory_space<semaphore_mem>>) {add = true}
          %dma_wait3A_30 = arith.constant 0 : i32
          %dma_wait3A_31 = tpu.memref_slice %arg8[%scan3A_13, %dma_wait3A_30] : memref<16x128xi32, #tpu.memory_space<vmem>> -> memref<1x128xi32, #tpu.memory_space<vmem>>
          %dma_wait3A_32 = tpu.memref_squeeze %dma_wait3A_31 : memref<1x128xi32, #tpu.memory_space<vmem>> -> memref<128xi32, #tpu.memory_space<vmem>>
          %dma_wait3A_33 = arith.constant 0 : i32
          %dma_wait3A_34 = arith.constant 0 : i32
          %dma_wait3A_35 = tpu.memref_slice %arg10[%dma_wait3A_33, %dma_wait3A_34] : memref<10240x128xf32, #tpu.memory_space<vmem_shared>> -> memref<10240x128xf32, #tpu.memory_space<vmem_shared>>
          tpu.wait_indirect_dma semaphore(%run_scoped3A : memref<!tpu.dma_semaphore, #tpu.memory_space<semaphore_mem>>) src(%arg9 : memref<128x128xf32, #tpu.memory_space<vmem>>) dst(%dma_wait3A_35 : memref<10240x128xf32, #tpu.memory_space<vmem_shared>>)
          tpu.yield
        }) : () -> ()
      }
      %scan3A_12 = arith.constant 16 : i32
    }
    %scan3A_5 = arith.constant 10 : i32
    %barrier3A_6 = arith.constant 0 : index
    tpu.barrier barrier_id(%barrier3A_6)
    "tpu.region"() ({
      %run_scoped3A = tpu.sem_alloc : memref<!tpu.dma_semaphore, #tpu.memory_space<semaphore_mem>>
      %dma_start3A = arith.constant 0 : i32
      %dma_start3A_7 = tpu.memref_slice %arg6[%arg0, %mul3A_0, %dma_start3A] : memref<2x10240x128xf32, #tpu.memory_space<hbm>> -> memref<1x640x128xf32, #tpu.memory_space<hbm>>
      %dma_start3A_8 = tpu.memref_squeeze %dma_start3A_7 : memref<1x640x128xf32, #tpu.memory_space<hbm>> -> memref<640x128xf32, #tpu.memory_space<hbm>>
      %dma_start3A_9 = arith.constant 0 : i32
      %dma_start3A_10 = tpu.memref_slice %arg10[%mul3A_0, %dma_start3A_9] : memref<10240x128xf32, #tpu.memory_space<vmem_shared>> -> memref<640x128xf32, #tpu.memory_space<vmem_shared>>
      tpu.enqueue_dma source(%dma_start3A_10 : memref<640x128xf32, #tpu.memory_space<vmem_shared>>) target(%dma_start3A_8 : memref<640x128xf32, #tpu.memory_space<hbm>>) target_semaphore(%run_scoped3A : memref<!tpu.dma_semaphore, #tpu.memory_space<semaphore_mem>>)
      %dma_wait3A = arith.constant 0 : i32
      %dma_wait3A_11 = tpu.memref_slice %arg6[%arg0, %mul3A_0, %dma_wait3A] : memref<2x10240x128xf32, #tpu.memory_space<hbm>> -> memref<1x640x128xf32, #tpu.memory_space<hbm>>
      %dma_wait3A_12 = tpu.memref_squeeze %dma_wait3A_11 : memref<1x640x128xf32, #tpu.memory_space<hbm>> -> memref<640x128xf32, #tpu.memory_space<hbm>>
      %dma_wait3A_13 = arith.constant 0 : i32
      %dma_wait3A_14 = tpu.memref_slice %arg10[%mul3A_0, %dma_wait3A_13] : memref<10240x128xf32, #tpu.memory_space<vmem_shared>> -> memref<640x128xf32, #tpu.memory_space<vmem_shared>>
      tpu.wait_dma2 semaphore(%run_scoped3A : memref<!tpu.dma_semaphore, #tpu.memory_space<semaphore_mem>>) src(%dma_wait3A_14 : memref<640x128xf32, #tpu.memory_space<vmem_shared>>) dst(%dma_wait3A_12 : memref<640x128xf32, #tpu.memory_space<hbm>>)
      tpu.yield
    }) : () -> ()
    return
  }
}

module attributes {stable_mosaic.version = 14 : i64} {
  func.func @_pre_body(%arg0: i32, %arg1: memref<640x128xf32, #tpu.memory_space<vmem>>, %arg2: memref<128x128xf32, #tpu.memory_space<vmem>>, %arg3: memref<1x128xf32, #tpu.memory_space<vmem>>, %arg4: memref<1x1xf32, #tpu.memory_space<vmem>>, %arg5: memref<640x128xf32, #tpu.memory_space<vmem>>, %arg6: memref<2x640x128xf32, #tpu.memory_space<vmem>>) attributes {dimension_semantics = [#tpu.dimension_semantics<arbitrary>], iteration_bounds = array<i64: 16>, scalar_prefetch = 0 : i64, scratch_operands = 0 : i64, tpu.core_type = #tpu.core_type<tc>, window_params = [{transform_indices = @transform_0, window_bounds = array<i64: 640, 128>}, {pipeline_mode = #tpu.pipeline_mode<synchronous>, transform_indices = @transform_1, window_bounds = array<i64: 128, 128>}, {pipeline_mode = #tpu.pipeline_mode<synchronous>, transform_indices = @transform_2, window_bounds = array<i64: 1, 128>}, {pipeline_mode = #tpu.pipeline_mode<synchronous>, transform_indices = @transform_3, window_bounds = array<i64: 1, 1>}, {transform_indices = @transform_4, window_bounds = array<i64: 640, 128>}, {transform_indices = @transform_5, window_bounds = array<i64: 2, 640, 128>}]} {
    %get3A = arith.constant 0 : index
    %get3A_0 = arith.constant 0 : index
    %get3A_1 = vector.load %arg1[%get3A, %get3A_0] : memref<640x128xf32, #tpu.memory_space<vmem>>, vector<640x128xf32>
    %get3A_2 = arith.constant 0 : index
    %get3A_3 = arith.constant 0 : index
    %get3A_4 = vector.load %arg2[%get3A_2, %get3A_3] : memref<128x128xf32, #tpu.memory_space<vmem>>, vector<128x128xf32>
    %dot_general3A = arith.constant dense<0.000000e+00> : vector<640x128xf32>
    %dot_general3A_5 = tpu.matmul %get3A_1, %get3A_4, %dot_general3A {dimension_numbers = #tpu.dot_dimension_numbers<[1], [0], [0], [1], [0, 0, 1, 1], [], []>, transpose_lhs_hint = false} : vector<640x128xf32>, vector<128x128xf32>, vector<640x128xf32> -> vector<640x128xf32>
    %get3A_6 = arith.constant 0 : index
    %get3A_7 = arith.constant 0 : index
    %get3A_8 = vector.load %arg3[%get3A_6, %get3A_7] : memref<1x128xf32, #tpu.memory_space<vmem>>, vector<1x128xf32>
    %add3A = vector.broadcast %get3A_8 : vector<1x128xf32> to vector<640x128xf32>
    %add3A_9 = arith.addf %dot_general3A_5, %add3A : vector<640x128xf32>
    %max3A = arith.constant 0.000000e+00 : f32
    %max3A_10 = vector.broadcast %max3A : f32 to vector<640x128xf32>
    %max3A_11 = arith.maximumf %add3A_9, %max3A_10 : vector<640x128xf32>
    %swap3A = arith.constant 0 : index
    %swap3A_12 = arith.constant 0 : index
    %swap3A_13 = vector.load %arg5[%swap3A, %swap3A_12] : memref<640x128xf32, #tpu.memory_space<vmem>>, vector<640x128xf32>
    tpu.vector_store %arg5[%swap3A, %swap3A_12], %max3A_11 {strides = array<i32>} : memref<640x128xf32, #tpu.memory_space<vmem>>, vector<640x128xf32>,
    %get3A_14 = arith.constant 0 : index
    %get3A_15 = arith.constant 0 : index
    %get3A_16 = vector.load %arg4[%get3A_14, %get3A_15] : memref<1x1xf32, #tpu.memory_space<vmem>>, vector<1x1xf32>
    %get3A_17 = vector.extract %get3A_16[0, 0] : f32 from vector<1x1xf32>
    %max3A_18 = arith.constant 0.000000e+00 : f32
    %max3A_19 = vector.broadcast %max3A_18 : f32 to vector<640x128xf32>
    %max3A_20 = arith.maximumf %max3A_11, %max3A_19 : vector<640x128xf32>
    %add3A_21 = arith.constant 1.000000e-07 : f32
    %add3A_22 = vector.broadcast %add3A_21 : f32 to vector<640x128xf32>
    %add3A_23 = arith.addf %max3A_20, %add3A_22 : vector<640x128xf32>
    %mul3A = vector.broadcast %get3A_17 : f32 to vector<640x128xf32>
    %mul3A_24 = arith.mulf %add3A_23, %mul3A : vector<640x128xf32>
    %exp3A = math.exp %mul3A_24 : vector<640x128xf32>
    %mul3A_25 = arith.mulf %add3A_23, %exp3A : vector<640x128xf32>
    %slice3A = vector.extract_strided_slice %exp3A {offsets = [0, 0], sizes = [640, 64], strides = [1, 1]} : vector<640x128xf32> to vector<640x64xf32>
    %slice3A_26 = vector.extract_strided_slice %mul3A_25 {offsets = [0, 0], sizes = [640, 64], strides = [1, 1]} : vector<640x128xf32> to vector<640x64xf32>
    %concatenate3A = tpu.concatenate %slice3A, %slice3A_26 in 1 : vector<640x64xf32>, vector<640x64xf32> -> vector<640x128xf32>
    %slice3A_27 = vector.extract_strided_slice %exp3A {offsets = [0, 64], sizes = [640, 64], strides = [1, 1]} : vector<640x128xf32> to vector<640x64xf32>
    %slice3A_28 = vector.extract_strided_slice %mul3A_25 {offsets = [0, 64], sizes = [640, 64], strides = [1, 1]} : vector<640x128xf32> to vector<640x64xf32>
    %concatenate3A_29 = tpu.concatenate %slice3A_27, %slice3A_28 in 1 : vector<640x64xf32>, vector<640x64xf32> -> vector<640x128xf32>
    %stack3A = vector.shape_cast %concatenate3A : vector<640x128xf32> to vector<1x640x128xf32>
    %stack3A_30 = vector.shape_cast %concatenate3A_29 : vector<640x128xf32> to vector<1x640x128xf32>
    %stack3A_31 = tpu.concatenate %stack3A, %stack3A_30 in 0 : vector<1x640x128xf32>, vector<1x640x128xf32> -> vector<2x640x128xf32>
    %swap3A_32 = arith.constant 0 : index
    %swap3A_33 = arith.constant 0 : index
    %swap3A_34 = arith.constant 0 : index
    %swap3A_35 = vector.load %arg6[%swap3A_32, %swap3A_33, %swap3A_34] : memref<2x640x128xf32, #tpu.memory_space<vmem>>, vector<2x640x128xf32>
    tpu.vector_store %arg6[%swap3A_32, %swap3A_33, %swap3A_34], %stack3A_31 {strides = array<i32>} : memref<2x640x128xf32, #tpu.memory_space<vmem>>, vector<2x640x128xf32>,
    return
  }
  func.func @transform_0(%arg0: i32) -> (i32, i32) {
    %c0_i32 = arith.constant 0 : i32
    %c0_i32_0 = arith.constant 0 : i32
    return %arg0, %c0_i32 : i32, i32
  }
  func.func @transform_1(%arg0: i32) -> (i32, i32) {
    %c0_i32 = arith.constant 0 : i32
    %c0_i32_0 = arith.constant 0 : i32
    %c0_i32_1 = arith.constant 0 : i32
    return %c0_i32, %c0_i32_0 : i32, i32
  }
  func.func @transform_2(%arg0: i32) -> (i32, i32) {
    %c0_i32 = arith.constant 0 : i32
    %c0_i32_0 = arith.constant 0 : i32
    %c0_i32_1 = arith.constant 0 : i32
    return %c0_i32, %c0_i32_0 : i32, i32
  }
  func.func @transform_3(%arg0: i32) -> (i32, i32) {
    %c0_i32 = arith.constant 0 : i32
    %c0_i32_0 = arith.constant 0 : i32
    %c0_i32_1 = arith.constant 0 : i32
    return %c0_i32, %c0_i32_0 : i32, i32
  }
  func.func @transform_4(%arg0: i32) -> (i32, i32) {
    %c0_i32 = arith.constant 0 : i32
    %c0_i32_0 = arith.constant 0 : i32
    return %arg0, %c0_i32 : i32, i32
  }
  func.func @transform_5(%arg0: i32) -> (i32, i32, i32) {
    %c0_i32 = arith.constant 0 : i32
    %c0_i32_0 = arith.constant 0 : i32
    %c0_i32_1 = arith.constant 0 : i32
    return %c0_i32, %arg0, %c0_i32_0 : i32, i32, i32
  }
}

module attributes {stable_mosaic.version = 14 : i64} {
  func.func @_mlp_body(%arg0: i32, %arg1: memref<2x640x128xf32, #tpu.memory_space<vmem>>, %arg2: memref<640x128xf32, #tpu.memory_space<vmem>>, %arg3: memref<128x256xf32, #tpu.memory_space<vmem>>, %arg4: memref<1x256xf32, #tpu.memory_space<vmem>>, %arg5: memref<1x256xf32, #tpu.memory_space<vmem>>, %arg6: memref<1x256xf32, #tpu.memory_space<vmem>>, %arg7: memref<256x128xf32, #tpu.memory_space<vmem>>, %arg8: memref<1x128xf32, #tpu.memory_space<vmem>>, %arg9: memref<1x128xf32, #tpu.memory_space<vmem>>, %arg10: memref<1x128xf32, #tpu.memory_space<vmem>>, %arg11: memref<1x1xf32, #tpu.memory_space<vmem>>, %arg12: memref<640x128xf32, #tpu.memory_space<vmem>>, %arg13: memref<2x640x128xf32, #tpu.memory_space<vmem>>) attributes {dimension_semantics = [#tpu.dimension_semantics<arbitrary>], iteration_bounds = array<i64: 16>, scalar_prefetch = 0 : i64, scratch_operands = 0 : i64, tpu.core_type = #tpu.core_type<tc>, window_params = [{transform_indices = @transform_0, window_bounds = array<i64: 2, 640, 128>}, {transform_indices = @transform_1, window_bounds = array<i64: 640, 128>}, {pipeline_mode = #tpu.pipeline_mode<synchronous>, transform_indices = @transform_2, window_bounds = array<i64: 128, 256>}, {pipeline_mode = #tpu.pipeline_mode<synchronous>, transform_indices = @transform_3, window_bounds = array<i64: 1, 256>}, {pipeline_mode = #tpu.pipeline_mode<synchronous>, transform_indices = @transform_4, window_bounds = array<i64: 1, 256>}, {pipeline_mode = #tpu.pipeline_mode<synchronous>, transform_indices = @transform_5, window_bounds = array<i64: 1, 256>}, {pipeline_mode = #tpu.pipeline_mode<synchronous>, transform_indices = @transform_6, window_bounds = array<i64: 256, 128>}, {pipeline_mode = #tpu.pipeline_mode<synchronous>, transform_indices = @transform_7, window_bounds = array<i64: 1, 128>}, {pipeline_mode = #tpu.pipeline_mode<synchronous>, transform_indices = @transform_8, window_bounds = array<i64: 1, 128>}, {pipeline_mode = #tpu.pipeline_mode<synchronous>, transform_indices = @transform_9, window_bounds = array<i64: 1, 128>}, {pipeline_mode = #tpu.pipeline_mode<synchronous>, transform_indices = @transform_10, window_bounds = array<i64: 1, 1>}, {transform_indices = @transform_11, window_bounds = array<i64: 640, 128>}, {transform_indices = @transform_12, window_bounds = array<i64: 2, 640, 128>}]} {
    %get3A = arith.constant 0 : index
    %get3A_0 = arith.constant 0 : index
    %get3A_1 = arith.constant 0 : index
    %get3A_2 = vector.load %arg1[%get3A, %get3A_0, %get3A_1] : memref<2x640x128xf32, #tpu.memory_space<vmem>>, vector<1x640x128xf32>
    %get3A_3 = vector.shape_cast %get3A_2 : vector<1x640x128xf32> to vector<640x128xf32>
    %get3A_4 = arith.constant 1 : index
    %get3A_5 = arith.constant 0 : index
    %get3A_6 = arith.constant 0 : index
    %get3A_7 = vector.load %arg1[%get3A_4, %get3A_5, %get3A_6] : memref<2x640x128xf32, #tpu.memory_space<vmem>>, vector<1x640x128xf32>
    %get3A_8 = vector.shape_cast %get3A_7 : vector<1x640x128xf32> to vector<640x128xf32>
    %slice3A = vector.extract_strided_slice %get3A_3 {offsets = [0, 64], sizes = [640, 64], strides = [1, 1]} : vector<640x128xf32> to vector<640x64xf32>
    %slice3A_9 = vector.extract_strided_slice %get3A_3 {offsets = [0, 0], sizes = [640, 64], strides = [1, 1]} : vector<640x128xf32> to vector<640x64xf32>
    %add3A = arith.constant 1.000000e-16 : f32
    %add3A_10 = vector.broadcast %add3A : f32 to vector<640x64xf32>
    %add3A_11 = arith.addf %slice3A_9, %add3A_10 : vector<640x64xf32>
    %div3A = arith.divf %slice3A, %add3A_11 : vector<640x64xf32>
    %slice3A_12 = vector.extract_strided_slice %get3A_8 {offsets = [0, 64], sizes = [640, 64], strides = [1, 1]} : vector<640x128xf32> to vector<640x64xf32>
    %slice3A_13 = vector.extract_strided_slice %get3A_8 {offsets = [0, 0], sizes = [640, 64], strides = [1, 1]} : vector<640x128xf32> to vector<640x64xf32>
    %add3A_14 = arith.constant 1.000000e-16 : f32
    %add3A_15 = vector.broadcast %add3A_14 : f32 to vector<640x64xf32>
    %add3A_16 = arith.addf %slice3A_13, %add3A_15 : vector<640x64xf32>
    %div3A_17 = arith.divf %slice3A_12, %add3A_16 : vector<640x64xf32>
    %concatenate3A = tpu.concatenate %div3A, %div3A_17 in 1 : vector<640x64xf32>, vector<640x64xf32> -> vector<640x128xf32>
    %get3A_18 = arith.constant 0 : index
    %get3A_19 = arith.constant 0 : index
    %get3A_20 = vector.load %arg2[%get3A_18, %get3A_19] : memref<640x128xf32, #tpu.memory_space<vmem>>, vector<640x128xf32>
    %add3A_21 = arith.addf %concatenate3A, %get3A_20 : vector<640x128xf32>
    %get3A_22 = arith.constant 0 : index
    %get3A_23 = arith.constant 0 : index
    %get3A_24 = vector.load %arg3[%get3A_22, %get3A_23] : memref<128x256xf32, #tpu.memory_space<vmem>>, vector<128x256xf32>
    %dot_general3A = arith.constant dense<0.000000e+00> : vector<640x256xf32>
    %dot_general3A_25 = tpu.matmul %add3A_21, %get3A_24, %dot_general3A {dimension_numbers = #tpu.dot_dimension_numbers<[1], [0], [0], [1], [0, 0, 1, 1], [], []>, transpose_lhs_hint = false} : vector<640x128xf32>, vector<128x256xf32>, vector<640x256xf32> -> vector<640x256xf32>
    %get3A_26 = arith.constant 0 : index
    %get3A_27 = arith.constant 0 : index
    %get3A_28 = vector.load %arg4[%get3A_26, %get3A_27] : memref<1x256xf32, #tpu.memory_space<vmem>>, vector<1x256xf32>
    %add3A_29 = vector.broadcast %get3A_28 : vector<1x256xf32> to vector<640x256xf32>
    %add3A_30 = arith.addf %dot_general3A_25, %add3A_29 : vector<640x256xf32>
    %get3A_31 = arith.constant 0 : index
    %get3A_32 = arith.constant 0 : index
    %get3A_33 = vector.load %arg5[%get3A_31, %get3A_32] : memref<1x256xf32, #tpu.memory_space<vmem>>, vector<1x256xf32>
    %get3A_34 = arith.constant 0 : index
    %get3A_35 = arith.constant 0 : index
    %get3A_36 = vector.load %arg6[%get3A_34, %get3A_35] : memref<1x256xf32, #tpu.memory_space<vmem>>, vector<1x256xf32>
    %reduce_sum3A = arith.constant dense<0.000000e+00> : vector<640xf32>
    %reduce_sum3A_37 = vector.multi_reduction <add>, %add3A_30, %reduce_sum3A [1] : vector<640x256xf32> to vector<640xf32>
    %broadcast_in_dim3A = vector.shape_cast %reduce_sum3A_37 : vector<640xf32> to vector<640x1xf32>
    %div3A_38 = arith.constant 2.560000e+02 : f32
    %div3A_39 = vector.broadcast %div3A_38 : f32 to vector<640x1xf32>
    %div3A_40 = arith.divf %broadcast_in_dim3A, %div3A_39 : vector<640x1xf32>
    %sub3A = vector.broadcast %div3A_40 : vector<640x1xf32> to vector<640x256xf32>
    %sub3A_41 = arith.subf %add3A_30, %sub3A : vector<640x256xf32>
    %integer_pow3A = arith.mulf %sub3A_41, %sub3A_41 : vector<640x256xf32>
    %reduce_sum3A_42 = arith.constant dense<0.000000e+00> : vector<640xf32>
    %reduce_sum3A_43 = vector.multi_reduction <add>, %integer_pow3A, %reduce_sum3A_42 [1] : vector<640x256xf32> to vector<640xf32>
    %broadcast_in_dim3A_44 = vector.shape_cast %reduce_sum3A_43 : vector<640xf32> to vector<640x1xf32>
    %div3A_45 = arith.constant 2.560000e+02 : f32
    %div3A_46 = vector.broadcast %div3A_45 : f32 to vector<640x1xf32>
    %div3A_47 = arith.divf %broadcast_in_dim3A_44, %div3A_46 : vector<640x1xf32>
    %sub3A_48 = vector.broadcast %div3A_40 : vector<640x1xf32> to vector<640x256xf32>
    %sub3A_49 = arith.subf %add3A_30, %sub3A_48 : vector<640x256xf32>
    %add3A_50 = arith.constant 9.99999974E-6 : f32
    %add3A_51 = vector.broadcast %add3A_50 : f32 to vector<640x1xf32>
    %add3A_52 = arith.addf %div3A_47, %add3A_51 : vector<640x1xf32>
    %rsqrt3A = math.rsqrt %add3A_52 : vector<640x1xf32>
    %mul3A = vector.broadcast %rsqrt3A : vector<640x1xf32> to vector<640x256xf32>
    %mul3A_53 = arith.mulf %sub3A_49, %mul3A : vector<640x256xf32>
    %mul3A_54 = vector.broadcast %get3A_33 : vector<1x256xf32> to vector<640x256xf32>
    %mul3A_55 = arith.mulf %mul3A_53, %mul3A_54 : vector<640x256xf32>
    %add3A_56 = vector.broadcast %get3A_36 : vector<1x256xf32> to vector<640x256xf32>
    %add3A_57 = arith.addf %mul3A_55, %add3A_56 : vector<640x256xf32>
    %max3A = arith.constant 0.000000e+00 : f32
    %max3A_58 = vector.broadcast %max3A : f32 to vector<640x256xf32>
    %max3A_59 = arith.maximumf %add3A_57, %max3A_58 : vector<640x256xf32>
    %get3A_60 = arith.constant 0 : index
    %get3A_61 = arith.constant 0 : index
    %get3A_62 = vector.load %arg7[%get3A_60, %get3A_61] : memref<256x128xf32, #tpu.memory_space<vmem>>, vector<256x128xf32>
    %dot_general3A_63 = arith.constant dense<0.000000e+00> : vector<640x128xf32>
    %dot_general3A_64 = tpu.matmul %max3A_59, %get3A_62, %dot_general3A_63 {dimension_numbers = #tpu.dot_dimension_numbers<[1], [0], [0], [1], [0, 0, 1, 1], [], []>, transpose_lhs_hint = false} : vector<640x256xf32>, vector<256x128xf32>, vector<640x128xf32> -> vector<640x128xf32>
    %get3A_65 = arith.constant 0 : index
    %get3A_66 = arith.constant 0 : index
    %get3A_67 = vector.load %arg8[%get3A_65, %get3A_66] : memref<1x128xf32, #tpu.memory_space<vmem>>, vector<1x128xf32>
    %add3A_68 = vector.broadcast %get3A_67 : vector<1x128xf32> to vector<640x128xf32>
    %add3A_69 = arith.addf %dot_general3A_64, %add3A_68 : vector<640x128xf32>
    %swap3A = arith.constant 0 : index
    %swap3A_70 = arith.constant 0 : index
    %swap3A_71 = vector.load %arg12[%swap3A, %swap3A_70] : memref<640x128xf32, #tpu.memory_space<vmem>>, vector<640x128xf32>
    tpu.vector_store %arg12[%swap3A, %swap3A_70], %add3A_69 {strides = array<i32>} : memref<640x128xf32, #tpu.memory_space<vmem>>, vector<640x128xf32>,
    %get3A_72 = arith.constant 0 : index
    %get3A_73 = arith.constant 0 : index
    %get3A_74 = vector.load %arg11[%get3A_72, %get3A_73] : memref<1x1xf32, #tpu.memory_space<vmem>>, vector<1x1xf32>
    %get3A_75 = vector.extract %get3A_74[0, 0] : f32 from vector<1x1xf32>
    %max3A_76 = arith.constant 0.000000e+00 : f32
    %max3A_77 = vector.broadcast %max3A_76 : f32 to vector<640x128xf32>
    %max3A_78 = arith.maximumf %add3A_69, %max3A_77 : vector<640x128xf32>
    %add3A_79 = arith.constant 1.000000e-07 : f32
    %add3A_80 = vector.broadcast %add3A_79 : f32 to vector<640x128xf32>
    %add3A_81 = arith.addf %max3A_78, %add3A_80 : vector<640x128xf32>
    %mul3A_82 = vector.broadcast %get3A_75 : f32 to vector<640x128xf32>
    %mul3A_83 = arith.mulf %add3A_81, %mul3A_82 : vector<640x128xf32>
    %exp3A = math.exp %mul3A_83 : vector<640x128xf32>
    %mul3A_84 = arith.mulf %add3A_81, %exp3A : vector<640x128xf32>
    %slice3A_85 = vector.extract_strided_slice %exp3A {offsets = [0, 0], sizes = [640, 64], strides = [1, 1]} : vector<640x128xf32> to vector<640x64xf32>
    %slice3A_86 = vector.extract_strided_slice %mul3A_84 {offsets = [0, 0], sizes = [640, 64], strides = [1, 1]} : vector<640x128xf32> to vector<640x64xf32>
    %concatenate3A_87 = tpu.concatenate %slice3A_85, %slice3A_86 in 1 : vector<640x64xf32>, vector<640x64xf32> -> vector<640x128xf32>
    %slice3A_88 = vector.extract_strided_slice %exp3A {offsets = [0, 64], sizes = [640, 64], strides = [1, 1]} : vector<640x128xf32> to vector<640x64xf32>
    %slice3A_89 = vector.extract_strided_slice %mul3A_84 {offsets = [0, 64], sizes = [640, 64], strides = [1, 1]} : vector<640x128xf32> to vector<640x64xf32>
    %concatenate3A_90 = tpu.concatenate %slice3A_88, %slice3A_89 in 1 : vector<640x64xf32>, vector<640x64xf32> -> vector<640x128xf32>
    %stack3A = vector.shape_cast %concatenate3A_87 : vector<640x128xf32> to vector<1x640x128xf32>
    %stack3A_91 = vector.shape_cast %concatenate3A_90 : vector<640x128xf32> to vector<1x640x128xf32>
    %stack3A_92 = tpu.concatenate %stack3A, %stack3A_91 in 0 : vector<1x640x128xf32>, vector<1x640x128xf32> -> vector<2x640x128xf32>
    %swap3A_93 = arith.constant 0 : index
    %swap3A_94 = arith.constant 0 : index
    %swap3A_95 = arith.constant 0 : index
    %swap3A_96 = vector.load %arg13[%swap3A_93, %swap3A_94, %swap3A_95] : memref<2x640x128xf32, #tpu.memory_space<vmem>>, vector<2x640x128xf32>
    tpu.vector_store %arg13[%swap3A_93, %swap3A_94, %swap3A_95], %stack3A_92 {strides = array<i32>} : memref<2x640x128xf32, #tpu.memory_space<vmem>>, vector<2x640x128xf32>,
    return
  }
  func.func @transform_0(%arg0: i32) -> (i32, i32, i32) {
    %c0_i32 = arith.constant 0 : i32
    %c0_i32_0 = arith.constant 0 : i32
    %c0_i32_1 = arith.constant 0 : i32
    return %c0_i32, %arg0, %c0_i32_0 : i32, i32, i32
  }
  func.func @transform_1(%arg0: i32) -> (i32, i32) {
    %c0_i32 = arith.constant 0 : i32
    %c0_i32_0 = arith.constant 0 : i32
    return %arg0, %c0_i32 : i32, i32
  }
  func.func @transform_2(%arg0: i32) -> (i32, i32) {
    %c0_i32 = arith.constant 0 : i32
    %c0_i32_0 = arith.constant 0 : i32
    %c0_i32_1 = arith.constant 0 : i32
    return %c0_i32, %c0_i32_0 : i32, i32
  }
  func.func @transform_3(%arg0: i32) -> (i32, i32) {
    %c0_i32 = arith.constant 0 : i32
    %c0_i32_0 = arith.constant 0 : i32
    %c0_i32_1 = arith.constant 0 : i32
    return %c0_i32, %c0_i32_0 : i32, i32
  }
  func.func @transform_4(%arg0: i32) -> (i32, i32) {
    %c0_i32 = arith.constant 0 : i32
    %c0_i32_0 = arith.constant 0 : i32
    %c0_i32_1 = arith.constant 0 : i32
    return %c0_i32, %c0_i32_0 : i32, i32
  }
  func.func @transform_5(%arg0: i32) -> (i32, i32) {
    %c0_i32 = arith.constant 0 : i32
    %c0_i32_0 = arith.constant 0 : i32
    %c0_i32_1 = arith.constant 0 : i32
    return %c0_i32, %c0_i32_0 : i32, i32
  }
  func.func @transform_6(%arg0: i32) -> (i32, i32) {
    %c0_i32 = arith.constant 0 : i32
    %c0_i32_0 = arith.constant 0 : i32
    %c0_i32_1 = arith.constant 0 : i32
    return %c0_i32, %c0_i32_0 : i32, i32
  }
  func.func @transform_7(%arg0: i32) -> (i32, i32) {
    %c0_i32 = arith.constant 0 : i32
    %c0_i32_0 = arith.constant 0 : i32
    %c0_i32_1 = arith.constant 0 : i32
    return %c0_i32, %c0_i32_0 : i32, i32
  }
  func.func @transform_8(%arg0: i32) -> (i32, i32) {
    %c0_i32 = arith.constant 0 : i32
    %c0_i32_0 = arith.constant 0 : i32
    %c0_i32_1 = arith.constant 0 : i32
    return %c0_i32, %c0_i32_0 : i32, i32
  }
  func.func @transform_9(%arg0: i32) -> (i32, i32) {
    %c0_i32 = arith.constant 0 : i32
    %c0_i32_0 = arith.constant 0 : i32
    %c0_i32_1 = arith.constant 0 : i32
    return %c0_i32, %c0_i32_0 : i32, i32
  }
  func.func @transform_10(%arg0: i32) -> (i32, i32) {
    %c0_i32 = arith.constant 0 : i32
    %c0_i32_0 = arith.constant 0 : i32
    %c0_i32_1 = arith.constant 0 : i32
    return %c0_i32, %c0_i32_0 : i32, i32
  }
  func.func @transform_11(%arg0: i32) -> (i32, i32) {
    %c0_i32 = arith.constant 0 : i32
    %c0_i32_0 = arith.constant 0 : i32
    return %arg0, %c0_i32 : i32, i32
  }
  func.func @transform_12(%arg0: i32) -> (i32, i32, i32) {
    %c0_i32 = arith.constant 0 : i32
    %c0_i32_0 = arith.constant 0 : i32
    %c0_i32_1 = arith.constant 0 : i32
    return %c0_i32, %arg0, %c0_i32_0 : i32, i32, i32
  }
}

module attributes {stable_mosaic.version = 14 : i64} {
  func.func @_mlp_body(%arg0: i32, %arg1: memref<2x640x128xf32, #tpu.memory_space<vmem>>, %arg2: memref<640x128xf32, #tpu.memory_space<vmem>>, %arg3: memref<128x256xf32, #tpu.memory_space<vmem>>, %arg4: memref<1x256xf32, #tpu.memory_space<vmem>>, %arg5: memref<1x256xf32, #tpu.memory_space<vmem>>, %arg6: memref<1x256xf32, #tpu.memory_space<vmem>>, %arg7: memref<256x128xf32, #tpu.memory_space<vmem>>, %arg8: memref<1x128xf32, #tpu.memory_space<vmem>>, %arg9: memref<1x128xf32, #tpu.memory_space<vmem>>, %arg10: memref<1x128xf32, #tpu.memory_space<vmem>>, %arg11: memref<1x1xf32, #tpu.memory_space<vmem>>, %arg12: memref<640x128xf32, #tpu.memory_space<vmem>>, %arg13: memref<2x640x128xf32, #tpu.memory_space<vmem>>) attributes {dimension_semantics = [#tpu.dimension_semantics<arbitrary>], iteration_bounds = array<i64: 16>, scalar_prefetch = 0 : i64, scratch_operands = 0 : i64, tpu.core_type = #tpu.core_type<tc>, window_params = [{transform_indices = @transform_0, window_bounds = array<i64: 2, 640, 128>}, {transform_indices = @transform_1, window_bounds = array<i64: 640, 128>}, {pipeline_mode = #tpu.pipeline_mode<synchronous>, transform_indices = @transform_2, window_bounds = array<i64: 128, 256>}, {pipeline_mode = #tpu.pipeline_mode<synchronous>, transform_indices = @transform_3, window_bounds = array<i64: 1, 256>}, {pipeline_mode = #tpu.pipeline_mode<synchronous>, transform_indices = @transform_4, window_bounds = array<i64: 1, 256>}, {pipeline_mode = #tpu.pipeline_mode<synchronous>, transform_indices = @transform_5, window_bounds = array<i64: 1, 256>}, {pipeline_mode = #tpu.pipeline_mode<synchronous>, transform_indices = @transform_6, window_bounds = array<i64: 256, 128>}, {pipeline_mode = #tpu.pipeline_mode<synchronous>, transform_indices = @transform_7, window_bounds = array<i64: 1, 128>}, {pipeline_mode = #tpu.pipeline_mode<synchronous>, transform_indices = @transform_8, window_bounds = array<i64: 1, 128>}, {pipeline_mode = #tpu.pipeline_mode<synchronous>, transform_indices = @transform_9, window_bounds = array<i64: 1, 128>}, {pipeline_mode = #tpu.pipeline_mode<synchronous>, transform_indices = @transform_10, window_bounds = array<i64: 1, 1>}, {transform_indices = @transform_11, window_bounds = array<i64: 640, 128>}, {transform_indices = @transform_12, window_bounds = array<i64: 2, 640, 128>}]} {
    %get3A = arith.constant 0 : index
    %get3A_0 = arith.constant 0 : index
    %get3A_1 = arith.constant 0 : index
    %get3A_2 = vector.load %arg1[%get3A, %get3A_0, %get3A_1] : memref<2x640x128xf32, #tpu.memory_space<vmem>>, vector<1x640x128xf32>
    %get3A_3 = vector.shape_cast %get3A_2 : vector<1x640x128xf32> to vector<640x128xf32>
    %get3A_4 = arith.constant 1 : index
    %get3A_5 = arith.constant 0 : index
    %get3A_6 = arith.constant 0 : index
    %get3A_7 = vector.load %arg1[%get3A_4, %get3A_5, %get3A_6] : memref<2x640x128xf32, #tpu.memory_space<vmem>>, vector<1x640x128xf32>
    %get3A_8 = vector.shape_cast %get3A_7 : vector<1x640x128xf32> to vector<640x128xf32>
    %slice3A = vector.extract_strided_slice %get3A_3 {offsets = [0, 64], sizes = [640, 64], strides = [1, 1]} : vector<640x128xf32> to vector<640x64xf32>
    %slice3A_9 = vector.extract_strided_slice %get3A_3 {offsets = [0, 0], sizes = [640, 64], strides = [1, 1]} : vector<640x128xf32> to vector<640x64xf32>
    %add3A = arith.constant 1.000000e-16 : f32
    %add3A_10 = vector.broadcast %add3A : f32 to vector<640x64xf32>
    %add3A_11 = arith.addf %slice3A_9, %add3A_10 : vector<640x64xf32>
    %div3A = arith.divf %slice3A, %add3A_11 : vector<640x64xf32>
    %slice3A_12 = vector.extract_strided_slice %get3A_8 {offsets = [0, 64], sizes = [640, 64], strides = [1, 1]} : vector<640x128xf32> to vector<640x64xf32>
    %slice3A_13 = vector.extract_strided_slice %get3A_8 {offsets = [0, 0], sizes = [640, 64], strides = [1, 1]} : vector<640x128xf32> to vector<640x64xf32>
    %add3A_14 = arith.constant 1.000000e-16 : f32
    %add3A_15 = vector.broadcast %add3A_14 : f32 to vector<640x64xf32>
    %add3A_16 = arith.addf %slice3A_13, %add3A_15 : vector<640x64xf32>
    %div3A_17 = arith.divf %slice3A_12, %add3A_16 : vector<640x64xf32>
    %concatenate3A = tpu.concatenate %div3A, %div3A_17 in 1 : vector<640x64xf32>, vector<640x64xf32> -> vector<640x128xf32>
    %get3A_18 = arith.constant 0 : index
    %get3A_19 = arith.constant 0 : index
    %get3A_20 = vector.load %arg2[%get3A_18, %get3A_19] : memref<640x128xf32, #tpu.memory_space<vmem>>, vector<640x128xf32>
    %add3A_21 = arith.addf %concatenate3A, %get3A_20 : vector<640x128xf32>
    %get3A_22 = arith.constant 0 : index
    %get3A_23 = arith.constant 0 : index
    %get3A_24 = vector.load %arg3[%get3A_22, %get3A_23] : memref<128x256xf32, #tpu.memory_space<vmem>>, vector<128x256xf32>
    %dot_general3A = arith.constant dense<0.000000e+00> : vector<640x256xf32>
    %dot_general3A_25 = tpu.matmul %add3A_21, %get3A_24, %dot_general3A {dimension_numbers = #tpu.dot_dimension_numbers<[1], [0], [0], [1], [0, 0, 1, 1], [], []>, transpose_lhs_hint = false} : vector<640x128xf32>, vector<128x256xf32>, vector<640x256xf32> -> vector<640x256xf32>
    %get3A_26 = arith.constant 0 : index
    %get3A_27 = arith.constant 0 : index
    %get3A_28 = vector.load %arg4[%get3A_26, %get3A_27] : memref<1x256xf32, #tpu.memory_space<vmem>>, vector<1x256xf32>
    %add3A_29 = vector.broadcast %get3A_28 : vector<1x256xf32> to vector<640x256xf32>
    %add3A_30 = arith.addf %dot_general3A_25, %add3A_29 : vector<640x256xf32>
    %get3A_31 = arith.constant 0 : index
    %get3A_32 = arith.constant 0 : index
    %get3A_33 = vector.load %arg5[%get3A_31, %get3A_32] : memref<1x256xf32, #tpu.memory_space<vmem>>, vector<1x256xf32>
    %get3A_34 = arith.constant 0 : index
    %get3A_35 = arith.constant 0 : index
    %get3A_36 = vector.load %arg6[%get3A_34, %get3A_35] : memref<1x256xf32, #tpu.memory_space<vmem>>, vector<1x256xf32>
    %reduce_sum3A = arith.constant dense<0.000000e+00> : vector<640xf32>
    %reduce_sum3A_37 = vector.multi_reduction <add>, %add3A_30, %reduce_sum3A [1] : vector<640x256xf32> to vector<640xf32>
    %broadcast_in_dim3A = vector.shape_cast %reduce_sum3A_37 : vector<640xf32> to vector<640x1xf32>
    %div3A_38 = arith.constant 2.560000e+02 : f32
    %div3A_39 = vector.broadcast %div3A_38 : f32 to vector<640x1xf32>
    %div3A_40 = arith.divf %broadcast_in_dim3A, %div3A_39 : vector<640x1xf32>
    %sub3A = vector.broadcast %div3A_40 : vector<640x1xf32> to vector<640x256xf32>
    %sub3A_41 = arith.subf %add3A_30, %sub3A : vector<640x256xf32>
    %integer_pow3A = arith.mulf %sub3A_41, %sub3A_41 : vector<640x256xf32>
    %reduce_sum3A_42 = arith.constant dense<0.000000e+00> : vector<640xf32>
    %reduce_sum3A_43 = vector.multi_reduction <add>, %integer_pow3A, %reduce_sum3A_42 [1] : vector<640x256xf32> to vector<640xf32>
    %broadcast_in_dim3A_44 = vector.shape_cast %reduce_sum3A_43 : vector<640xf32> to vector<640x1xf32>
    %div3A_45 = arith.constant 2.560000e+02 : f32
    %div3A_46 = vector.broadcast %div3A_45 : f32 to vector<640x1xf32>
    %div3A_47 = arith.divf %broadcast_in_dim3A_44, %div3A_46 : vector<640x1xf32>
    %sub3A_48 = vector.broadcast %div3A_40 : vector<640x1xf32> to vector<640x256xf32>
    %sub3A_49 = arith.subf %add3A_30, %sub3A_48 : vector<640x256xf32>
    %add3A_50 = arith.constant 9.99999974E-6 : f32
    %add3A_51 = vector.broadcast %add3A_50 : f32 to vector<640x1xf32>
    %add3A_52 = arith.addf %div3A_47, %add3A_51 : vector<640x1xf32>
    %rsqrt3A = math.rsqrt %add3A_52 : vector<640x1xf32>
    %mul3A = vector.broadcast %rsqrt3A : vector<640x1xf32> to vector<640x256xf32>
    %mul3A_53 = arith.mulf %sub3A_49, %mul3A : vector<640x256xf32>
    %mul3A_54 = vector.broadcast %get3A_33 : vector<1x256xf32> to vector<640x256xf32>
    %mul3A_55 = arith.mulf %mul3A_53, %mul3A_54 : vector<640x256xf32>
    %add3A_56 = vector.broadcast %get3A_36 : vector<1x256xf32> to vector<640x256xf32>
    %add3A_57 = arith.addf %mul3A_55, %add3A_56 : vector<640x256xf32>
    %max3A = arith.constant 0.000000e+00 : f32
    %max3A_58 = vector.broadcast %max3A : f32 to vector<640x256xf32>
    %max3A_59 = arith.maximumf %add3A_57, %max3A_58 : vector<640x256xf32>
    %get3A_60 = arith.constant 0 : index
    %get3A_61 = arith.constant 0 : index
    %get3A_62 = vector.load %arg7[%get3A_60, %get3A_61] : memref<256x128xf32, #tpu.memory_space<vmem>>, vector<256x128xf32>
    %dot_general3A_63 = arith.constant dense<0.000000e+00> : vector<640x128xf32>
    %dot_general3A_64 = tpu.matmul %max3A_59, %get3A_62, %dot_general3A_63 {dimension_numbers = #tpu.dot_dimension_numbers<[1], [0], [0], [1], [0, 0, 1, 1], [], []>, transpose_lhs_hint = false} : vector<640x256xf32>, vector<256x128xf32>, vector<640x128xf32> -> vector<640x128xf32>
    %get3A_65 = arith.constant 0 : index
    %get3A_66 = arith.constant 0 : index
    %get3A_67 = vector.load %arg8[%get3A_65, %get3A_66] : memref<1x128xf32, #tpu.memory_space<vmem>>, vector<1x128xf32>
    %add3A_68 = vector.broadcast %get3A_67 : vector<1x128xf32> to vector<640x128xf32>
    %add3A_69 = arith.addf %dot_general3A_64, %add3A_68 : vector<640x128xf32>
    %get3A_70 = arith.constant 0 : index
    %get3A_71 = arith.constant 0 : index
    %get3A_72 = vector.load %arg2[%get3A_70, %get3A_71] : memref<640x128xf32, #tpu.memory_space<vmem>>, vector<640x128xf32>
    %get3A_73 = arith.constant 0 : index
    %get3A_74 = arith.constant 0 : index
    %get3A_75 = vector.load %arg9[%get3A_73, %get3A_74] : memref<1x128xf32, #tpu.memory_space<vmem>>, vector<1x128xf32>
    %get3A_76 = arith.constant 0 : index
    %get3A_77 = arith.constant 0 : index
    %get3A_78 = vector.load %arg10[%get3A_76, %get3A_77] : memref<1x128xf32, #tpu.memory_space<vmem>>, vector<1x128xf32>
    %reduce_sum3A_79 = arith.constant dense<0.000000e+00> : vector<640xf32>
    %reduce_sum3A_80 = vector.multi_reduction <add>, %add3A_69, %reduce_sum3A_79 [1] : vector<640x128xf32> to vector<640xf32>
    %broadcast_in_dim3A_81 = vector.shape_cast %reduce_sum3A_80 : vector<640xf32> to vector<640x1xf32>
    %div3A_82 = arith.constant 1.280000e+02 : f32
    %div3A_83 = vector.broadcast %div3A_82 : f32 to vector<640x1xf32>
    %div3A_84 = arith.divf %broadcast_in_dim3A_81, %div3A_83 : vector<640x1xf32>
    %sub3A_85 = vector.broadcast %div3A_84 : vector<640x1xf32> to vector<640x128xf32>
    %sub3A_86 = arith.subf %add3A_69, %sub3A_85 : vector<640x128xf32>
    %integer_pow3A_87 = arith.mulf %sub3A_86, %sub3A_86 : vector<640x128xf32>
    %reduce_sum3A_88 = arith.constant dense<0.000000e+00> : vector<640xf32>
    %reduce_sum3A_89 = vector.multi_reduction <add>, %integer_pow3A_87, %reduce_sum3A_88 [1] : vector<640x128xf32> to vector<640xf32>
    %broadcast_in_dim3A_90 = vector.shape_cast %reduce_sum3A_89 : vector<640xf32> to vector<640x1xf32>
    %div3A_91 = arith.constant 1.280000e+02 : f32
    %div3A_92 = vector.broadcast %div3A_91 : f32 to vector<640x1xf32>
    %div3A_93 = arith.divf %broadcast_in_dim3A_90, %div3A_92 : vector<640x1xf32>
    %sub3A_94 = vector.broadcast %div3A_84 : vector<640x1xf32> to vector<640x128xf32>
    %sub3A_95 = arith.subf %add3A_69, %sub3A_94 : vector<640x128xf32>
    %add3A_96 = arith.constant 9.99999974E-6 : f32
    %add3A_97 = vector.broadcast %add3A_96 : f32 to vector<640x1xf32>
    %add3A_98 = arith.addf %div3A_93, %add3A_97 : vector<640x1xf32>
    %rsqrt3A_99 = math.rsqrt %add3A_98 : vector<640x1xf32>
    %mul3A_100 = vector.broadcast %rsqrt3A_99 : vector<640x1xf32> to vector<640x128xf32>
    %mul3A_101 = arith.mulf %sub3A_95, %mul3A_100 : vector<640x128xf32>
    %mul3A_102 = vector.broadcast %get3A_75 : vector<1x128xf32> to vector<640x128xf32>
    %mul3A_103 = arith.mulf %mul3A_101, %mul3A_102 : vector<640x128xf32>
    %add3A_104 = vector.broadcast %get3A_78 : vector<1x128xf32> to vector<640x128xf32>
    %add3A_105 = arith.addf %mul3A_103, %add3A_104 : vector<640x128xf32>
    %max3A_106 = arith.constant 0.000000e+00 : f32
    %max3A_107 = vector.broadcast %max3A_106 : f32 to vector<640x128xf32>
    %max3A_108 = arith.maximumf %add3A_105, %max3A_107 : vector<640x128xf32>
    %add3A_109 = arith.addf %get3A_72, %max3A_108 : vector<640x128xf32>
    %swap3A = arith.constant 0 : index
    %swap3A_110 = arith.constant 0 : index
    %swap3A_111 = vector.load %arg12[%swap3A, %swap3A_110] : memref<640x128xf32, #tpu.memory_space<vmem>>, vector<640x128xf32>
    tpu.vector_store %arg12[%swap3A, %swap3A_110], %add3A_109 {strides = array<i32>} : memref<640x128xf32, #tpu.memory_space<vmem>>, vector<640x128xf32>,
    %get3A_112 = arith.constant 0 : index
    %get3A_113 = arith.constant 0 : index
    %get3A_114 = vector.load %arg11[%get3A_112, %get3A_113] : memref<1x1xf32, #tpu.memory_space<vmem>>, vector<1x1xf32>
    %get3A_115 = vector.extract %get3A_114[0, 0] : f32 from vector<1x1xf32>
    %max3A_116 = arith.constant 0.000000e+00 : f32
    %max3A_117 = vector.broadcast %max3A_116 : f32 to vector<640x128xf32>
    %max3A_118 = arith.maximumf %add3A_109, %max3A_117 : vector<640x128xf32>
    %add3A_119 = arith.constant 1.000000e-07 : f32
    %add3A_120 = vector.broadcast %add3A_119 : f32 to vector<640x128xf32>
    %add3A_121 = arith.addf %max3A_118, %add3A_120 : vector<640x128xf32>
    %mul3A_122 = vector.broadcast %get3A_115 : f32 to vector<640x128xf32>
    %mul3A_123 = arith.mulf %add3A_121, %mul3A_122 : vector<640x128xf32>
    %exp3A = math.exp %mul3A_123 : vector<640x128xf32>
    %mul3A_124 = arith.mulf %add3A_121, %exp3A : vector<640x128xf32>
    %slice3A_125 = vector.extract_strided_slice %exp3A {offsets = [0, 0], sizes = [640, 64], strides = [1, 1]} : vector<640x128xf32> to vector<640x64xf32>
    %slice3A_126 = vector.extract_strided_slice %mul3A_124 {offsets = [0, 0], sizes = [640, 64], strides = [1, 1]} : vector<640x128xf32> to vector<640x64xf32>
    %concatenate3A_127 = tpu.concatenate %slice3A_125, %slice3A_126 in 1 : vector<640x64xf32>, vector<640x64xf32> -> vector<640x128xf32>
    %slice3A_128 = vector.extract_strided_slice %exp3A {offsets = [0, 64], sizes = [640, 64], strides = [1, 1]} : vector<640x128xf32> to vector<640x64xf32>
    %slice3A_129 = vector.extract_strided_slice %mul3A_124 {offsets = [0, 64], sizes = [640, 64], strides = [1, 1]} : vector<640x128xf32> to vector<640x64xf32>
    %concatenate3A_130 = tpu.concatenate %slice3A_128, %slice3A_129 in 1 : vector<640x64xf32>, vector<640x64xf32> -> vector<640x128xf32>
    %stack3A = vector.shape_cast %concatenate3A_127 : vector<640x128xf32> to vector<1x640x128xf32>
    %stack3A_131 = vector.shape_cast %concatenate3A_130 : vector<640x128xf32> to vector<1x640x128xf32>
    %stack3A_132 = tpu.concatenate %stack3A, %stack3A_131 in 0 : vector<1x640x128xf32>, vector<1x640x128xf32> -> vector<2x640x128xf32>
    %swap3A_133 = arith.constant 0 : index
    %swap3A_134 = arith.constant 0 : index
    %swap3A_135 = arith.constant 0 : index
    %swap3A_136 = vector.load %arg13[%swap3A_133, %swap3A_134, %swap3A_135] : memref<2x640x128xf32, #tpu.memory_space<vmem>>, vector<2x640x128xf32>
    tpu.vector_store %arg13[%swap3A_133, %swap3A_134, %swap3A_135], %stack3A_132 {strides = array<i32>} : memref<2x640x128xf32, #tpu.memory_space<vmem>>, vector<2x640x128xf32>,
    return
  }
  func.func @transform_0(%arg0: i32) -> (i32, i32, i32) {
    %c0_i32 = arith.constant 0 : i32
    %c0_i32_0 = arith.constant 0 : i32
    %c0_i32_1 = arith.constant 0 : i32
    return %c0_i32, %arg0, %c0_i32_0 : i32, i32, i32
  }
  func.func @transform_1(%arg0: i32) -> (i32, i32) {
    %c0_i32 = arith.constant 0 : i32
    %c0_i32_0 = arith.constant 0 : i32
    return %arg0, %c0_i32 : i32, i32
  }
  func.func @transform_2(%arg0: i32) -> (i32, i32) {
    %c0_i32 = arith.constant 0 : i32
    %c0_i32_0 = arith.constant 0 : i32
    %c0_i32_1 = arith.constant 0 : i32
    return %c0_i32, %c0_i32_0 : i32, i32
  }
  func.func @transform_3(%arg0: i32) -> (i32, i32) {
    %c0_i32 = arith.constant 0 : i32
    %c0_i32_0 = arith.constant 0 : i32
    %c0_i32_1 = arith.constant 0 : i32
    return %c0_i32, %c0_i32_0 : i32, i32
  }
  func.func @transform_4(%arg0: i32) -> (i32, i32) {
    %c0_i32 = arith.constant 0 : i32
    %c0_i32_0 = arith.constant 0 : i32
    %c0_i32_1 = arith.constant 0 : i32
    return %c0_i32, %c0_i32_0 : i32, i32
  }
  func.func @transform_5(%arg0: i32) -> (i32, i32) {
    %c0_i32 = arith.constant 0 : i32
    %c0_i32_0 = arith.constant 0 : i32
    %c0_i32_1 = arith.constant 0 : i32
    return %c0_i32, %c0_i32_0 : i32, i32
  }
  func.func @transform_6(%arg0: i32) -> (i32, i32) {
    %c0_i32 = arith.constant 0 : i32
    %c0_i32_0 = arith.constant 0 : i32
    %c0_i32_1 = arith.constant 0 : i32
    return %c0_i32, %c0_i32_0 : i32, i32
  }
  func.func @transform_7(%arg0: i32) -> (i32, i32) {
    %c0_i32 = arith.constant 0 : i32
    %c0_i32_0 = arith.constant 0 : i32
    %c0_i32_1 = arith.constant 0 : i32
    return %c0_i32, %c0_i32_0 : i32, i32
  }
  func.func @transform_8(%arg0: i32) -> (i32, i32) {
    %c0_i32 = arith.constant 0 : i32
    %c0_i32_0 = arith.constant 0 : i32
    %c0_i32_1 = arith.constant 0 : i32
    return %c0_i32, %c0_i32_0 : i32, i32
  }
  func.func @transform_9(%arg0: i32) -> (i32, i32) {
    %c0_i32 = arith.constant 0 : i32
    %c0_i32_0 = arith.constant 0 : i32
    %c0_i32_1 = arith.constant 0 : i32
    return %c0_i32, %c0_i32_0 : i32, i32
  }
  func.func @transform_10(%arg0: i32) -> (i32, i32) {
    %c0_i32 = arith.constant 0 : i32
    %c0_i32_0 = arith.constant 0 : i32
    %c0_i32_1 = arith.constant 0 : i32
    return %c0_i32, %c0_i32_0 : i32, i32
  }
  func.func @transform_11(%arg0: i32) -> (i32, i32) {
    %c0_i32 = arith.constant 0 : i32
    %c0_i32_0 = arith.constant 0 : i32
    return %arg0, %c0_i32 : i32, i32
  }
  func.func @transform_12(%arg0: i32) -> (i32, i32, i32) {
    %c0_i32 = arith.constant 0 : i32
    %c0_i32_0 = arith.constant 0 : i32
    %c0_i32_1 = arith.constant 0 : i32
    return %c0_i32, %arg0, %c0_i32_0 : i32, i32, i32
  }
}

module attributes {stable_mosaic.version = 14 : i64} {
  func.func @_mlp_body_notab(%arg0: i32, %arg1: memref<2x640x128xf32, #tpu.memory_space<vmem>>, %arg2: memref<640x128xf32, #tpu.memory_space<vmem>>, %arg3: memref<128x256xf32, #tpu.memory_space<vmem>>, %arg4: memref<1x256xf32, #tpu.memory_space<vmem>>, %arg5: memref<1x256xf32, #tpu.memory_space<vmem>>, %arg6: memref<1x256xf32, #tpu.memory_space<vmem>>, %arg7: memref<256x128xf32, #tpu.memory_space<vmem>>, %arg8: memref<1x128xf32, #tpu.memory_space<vmem>>, %arg9: memref<1x128xf32, #tpu.memory_space<vmem>>, %arg10: memref<1x128xf32, #tpu.memory_space<vmem>>, %arg11: memref<640x128xf32, #tpu.memory_space<vmem>>) attributes {dimension_semantics = [#tpu.dimension_semantics<arbitrary>], iteration_bounds = array<i64: 16>, scalar_prefetch = 0 : i64, scratch_operands = 0 : i64, tpu.core_type = #tpu.core_type<tc>, window_params = [{transform_indices = @transform_0, window_bounds = array<i64: 2, 640, 128>}, {transform_indices = @transform_1, window_bounds = array<i64: 640, 128>}, {pipeline_mode = #tpu.pipeline_mode<synchronous>, transform_indices = @transform_2, window_bounds = array<i64: 128, 256>}, {pipeline_mode = #tpu.pipeline_mode<synchronous>, transform_indices = @transform_3, window_bounds = array<i64: 1, 256>}, {pipeline_mode = #tpu.pipeline_mode<synchronous>, transform_indices = @transform_4, window_bounds = array<i64: 1, 256>}, {pipeline_mode = #tpu.pipeline_mode<synchronous>, transform_indices = @transform_5, window_bounds = array<i64: 1, 256>}, {pipeline_mode = #tpu.pipeline_mode<synchronous>, transform_indices = @transform_6, window_bounds = array<i64: 256, 128>}, {pipeline_mode = #tpu.pipeline_mode<synchronous>, transform_indices = @transform_7, window_bounds = array<i64: 1, 128>}, {pipeline_mode = #tpu.pipeline_mode<synchronous>, transform_indices = @transform_8, window_bounds = array<i64: 1, 128>}, {pipeline_mode = #tpu.pipeline_mode<synchronous>, transform_indices = @transform_9, window_bounds = array<i64: 1, 128>}, {transform_indices = @transform_10, window_bounds = array<i64: 640, 128>}]} {
    %get3A = arith.constant 0 : index
    %get3A_0 = arith.constant 0 : index
    %get3A_1 = arith.constant 0 : index
    %get3A_2 = vector.load %arg1[%get3A, %get3A_0, %get3A_1] : memref<2x640x128xf32, #tpu.memory_space<vmem>>, vector<1x640x128xf32>
    %get3A_3 = vector.shape_cast %get3A_2 : vector<1x640x128xf32> to vector<640x128xf32>
    %get3A_4 = arith.constant 1 : index
    %get3A_5 = arith.constant 0 : index
    %get3A_6 = arith.constant 0 : index
    %get3A_7 = vector.load %arg1[%get3A_4, %get3A_5, %get3A_6] : memref<2x640x128xf32, #tpu.memory_space<vmem>>, vector<1x640x128xf32>
    %get3A_8 = vector.shape_cast %get3A_7 : vector<1x640x128xf32> to vector<640x128xf32>
    %slice3A = vector.extract_strided_slice %get3A_3 {offsets = [0, 64], sizes = [640, 64], strides = [1, 1]} : vector<640x128xf32> to vector<640x64xf32>
    %slice3A_9 = vector.extract_strided_slice %get3A_3 {offsets = [0, 0], sizes = [640, 64], strides = [1, 1]} : vector<640x128xf32> to vector<640x64xf32>
    %add3A = arith.constant 1.000000e-16 : f32
    %add3A_10 = vector.broadcast %add3A : f32 to vector<640x64xf32>
    %add3A_11 = arith.addf %slice3A_9, %add3A_10 : vector<640x64xf32>
    %div3A = arith.divf %slice3A, %add3A_11 : vector<640x64xf32>
    %slice3A_12 = vector.extract_strided_slice %get3A_8 {offsets = [0, 64], sizes = [640, 64], strides = [1, 1]} : vector<640x128xf32> to vector<640x64xf32>
    %slice3A_13 = vector.extract_strided_slice %get3A_8 {offsets = [0, 0], sizes = [640, 64], strides = [1, 1]} : vector<640x128xf32> to vector<640x64xf32>
    %add3A_14 = arith.constant 1.000000e-16 : f32
    %add3A_15 = vector.broadcast %add3A_14 : f32 to vector<640x64xf32>
    %add3A_16 = arith.addf %slice3A_13, %add3A_15 : vector<640x64xf32>
    %div3A_17 = arith.divf %slice3A_12, %add3A_16 : vector<640x64xf32>
    %concatenate3A = tpu.concatenate %div3A, %div3A_17 in 1 : vector<640x64xf32>, vector<640x64xf32> -> vector<640x128xf32>
    %get3A_18 = arith.constant 0 : index
    %get3A_19 = arith.constant 0 : index
    %get3A_20 = vector.load %arg2[%get3A_18, %get3A_19] : memref<640x128xf32, #tpu.memory_space<vmem>>, vector<640x128xf32>
    %add3A_21 = arith.addf %concatenate3A, %get3A_20 : vector<640x128xf32>
    %get3A_22 = arith.constant 0 : index
    %get3A_23 = arith.constant 0 : index
    %get3A_24 = vector.load %arg3[%get3A_22, %get3A_23] : memref<128x256xf32, #tpu.memory_space<vmem>>, vector<128x256xf32>
    %dot_general3A = arith.constant dense<0.000000e+00> : vector<640x256xf32>
    %dot_general3A_25 = tpu.matmul %add3A_21, %get3A_24, %dot_general3A {dimension_numbers = #tpu.dot_dimension_numbers<[1], [0], [0], [1], [0, 0, 1, 1], [], []>, transpose_lhs_hint = false} : vector<640x128xf32>, vector<128x256xf32>, vector<640x256xf32> -> vector<640x256xf32>
    %get3A_26 = arith.constant 0 : index
    %get3A_27 = arith.constant 0 : index
    %get3A_28 = vector.load %arg4[%get3A_26, %get3A_27] : memref<1x256xf32, #tpu.memory_space<vmem>>, vector<1x256xf32>
    %add3A_29 = vector.broadcast %get3A_28 : vector<1x256xf32> to vector<640x256xf32>
    %add3A_30 = arith.addf %dot_general3A_25, %add3A_29 : vector<640x256xf32>
    %get3A_31 = arith.constant 0 : index
    %get3A_32 = arith.constant 0 : index
    %get3A_33 = vector.load %arg5[%get3A_31, %get3A_32] : memref<1x256xf32, #tpu.memory_space<vmem>>, vector<1x256xf32>
    %get3A_34 = arith.constant 0 : index
    %get3A_35 = arith.constant 0 : index
    %get3A_36 = vector.load %arg6[%get3A_34, %get3A_35] : memref<1x256xf32, #tpu.memory_space<vmem>>, vector<1x256xf32>
    %reduce_sum3A = arith.constant dense<0.000000e+00> : vector<640xf32>
    %reduce_sum3A_37 = vector.multi_reduction <add>, %add3A_30, %reduce_sum3A [1] : vector<640x256xf32> to vector<640xf32>
    %broadcast_in_dim3A = vector.shape_cast %reduce_sum3A_37 : vector<640xf32> to vector<640x1xf32>
    %div3A_38 = arith.constant 2.560000e+02 : f32
    %div3A_39 = vector.broadcast %div3A_38 : f32 to vector<640x1xf32>
    %div3A_40 = arith.divf %broadcast_in_dim3A, %div3A_39 : vector<640x1xf32>
    %sub3A = vector.broadcast %div3A_40 : vector<640x1xf32> to vector<640x256xf32>
    %sub3A_41 = arith.subf %add3A_30, %sub3A : vector<640x256xf32>
    %integer_pow3A = arith.mulf %sub3A_41, %sub3A_41 : vector<640x256xf32>
    %reduce_sum3A_42 = arith.constant dense<0.000000e+00> : vector<640xf32>
    %reduce_sum3A_43 = vector.multi_reduction <add>, %integer_pow3A, %reduce_sum3A_42 [1] : vector<640x256xf32> to vector<640xf32>
    %broadcast_in_dim3A_44 = vector.shape_cast %reduce_sum3A_43 : vector<640xf32> to vector<640x1xf32>
    %div3A_45 = arith.constant 2.560000e+02 : f32
    %div3A_46 = vector.broadcast %div3A_45 : f32 to vector<640x1xf32>
    %div3A_47 = arith.divf %broadcast_in_dim3A_44, %div3A_46 : vector<640x1xf32>
    %sub3A_48 = vector.broadcast %div3A_40 : vector<640x1xf32> to vector<640x256xf32>
    %sub3A_49 = arith.subf %add3A_30, %sub3A_48 : vector<640x256xf32>
    %add3A_50 = arith.constant 9.99999974E-6 : f32
    %add3A_51 = vector.broadcast %add3A_50 : f32 to vector<640x1xf32>
    %add3A_52 = arith.addf %div3A_47, %add3A_51 : vector<640x1xf32>
    %rsqrt3A = math.rsqrt %add3A_52 : vector<640x1xf32>
    %mul3A = vector.broadcast %rsqrt3A : vector<640x1xf32> to vector<640x256xf32>
    %mul3A_53 = arith.mulf %sub3A_49, %mul3A : vector<640x256xf32>
    %mul3A_54 = vector.broadcast %get3A_33 : vector<1x256xf32> to vector<640x256xf32>
    %mul3A_55 = arith.mulf %mul3A_53, %mul3A_54 : vector<640x256xf32>
    %add3A_56 = vector.broadcast %get3A_36 : vector<1x256xf32> to vector<640x256xf32>
    %add3A_57 = arith.addf %mul3A_55, %add3A_56 : vector<640x256xf32>
    %max3A = arith.constant 0.000000e+00 : f32
    %max3A_58 = vector.broadcast %max3A : f32 to vector<640x256xf32>
    %max3A_59 = arith.maximumf %add3A_57, %max3A_58 : vector<640x256xf32>
    %get3A_60 = arith.constant 0 : index
    %get3A_61 = arith.constant 0 : index
    %get3A_62 = vector.load %arg7[%get3A_60, %get3A_61] : memref<256x128xf32, #tpu.memory_space<vmem>>, vector<256x128xf32>
    %dot_general3A_63 = arith.constant dense<0.000000e+00> : vector<640x128xf32>
    %dot_general3A_64 = tpu.matmul %max3A_59, %get3A_62, %dot_general3A_63 {dimension_numbers = #tpu.dot_dimension_numbers<[1], [0], [0], [1], [0, 0, 1, 1], [], []>, transpose_lhs_hint = false} : vector<640x256xf32>, vector<256x128xf32>, vector<640x128xf32> -> vector<640x128xf32>
    %get3A_65 = arith.constant 0 : index
    %get3A_66 = arith.constant 0 : index
    %get3A_67 = vector.load %arg8[%get3A_65, %get3A_66] : memref<1x128xf32, #tpu.memory_space<vmem>>, vector<1x128xf32>
    %add3A_68 = vector.broadcast %get3A_67 : vector<1x128xf32> to vector<640x128xf32>
    %add3A_69 = arith.addf %dot_general3A_64, %add3A_68 : vector<640x128xf32>
    %get3A_70 = arith.constant 0 : index
    %get3A_71 = arith.constant 0 : index
    %get3A_72 = vector.load %arg2[%get3A_70, %get3A_71] : memref<640x128xf32, #tpu.memory_space<vmem>>, vector<640x128xf32>
    %get3A_73 = arith.constant 0 : index
    %get3A_74 = arith.constant 0 : index
    %get3A_75 = vector.load %arg9[%get3A_73, %get3A_74] : memref<1x128xf32, #tpu.memory_space<vmem>>, vector<1x128xf32>
    %get3A_76 = arith.constant 0 : index
    %get3A_77 = arith.constant 0 : index
    %get3A_78 = vector.load %arg10[%get3A_76, %get3A_77] : memref<1x128xf32, #tpu.memory_space<vmem>>, vector<1x128xf32>
    %reduce_sum3A_79 = arith.constant dense<0.000000e+00> : vector<640xf32>
    %reduce_sum3A_80 = vector.multi_reduction <add>, %add3A_69, %reduce_sum3A_79 [1] : vector<640x128xf32> to vector<640xf32>
    %broadcast_in_dim3A_81 = vector.shape_cast %reduce_sum3A_80 : vector<640xf32> to vector<640x1xf32>
    %div3A_82 = arith.constant 1.280000e+02 : f32
    %div3A_83 = vector.broadcast %div3A_82 : f32 to vector<640x1xf32>
    %div3A_84 = arith.divf %broadcast_in_dim3A_81, %div3A_83 : vector<640x1xf32>
    %sub3A_85 = vector.broadcast %div3A_84 : vector<640x1xf32> to vector<640x128xf32>
    %sub3A_86 = arith.subf %add3A_69, %sub3A_85 : vector<640x128xf32>
    %integer_pow3A_87 = arith.mulf %sub3A_86, %sub3A_86 : vector<640x128xf32>
    %reduce_sum3A_88 = arith.constant dense<0.000000e+00> : vector<640xf32>
    %reduce_sum3A_89 = vector.multi_reduction <add>, %integer_pow3A_87, %reduce_sum3A_88 [1] : vector<640x128xf32> to vector<640xf32>
    %broadcast_in_dim3A_90 = vector.shape_cast %reduce_sum3A_89 : vector<640xf32> to vector<640x1xf32>
    %div3A_91 = arith.constant 1.280000e+02 : f32
    %div3A_92 = vector.broadcast %div3A_91 : f32 to vector<640x1xf32>
    %div3A_93 = arith.divf %broadcast_in_dim3A_90, %div3A_92 : vector<640x1xf32>
    %sub3A_94 = vector.broadcast %div3A_84 : vector<640x1xf32> to vector<640x128xf32>
    %sub3A_95 = arith.subf %add3A_69, %sub3A_94 : vector<640x128xf32>
    %add3A_96 = arith.constant 9.99999974E-6 : f32
    %add3A_97 = vector.broadcast %add3A_96 : f32 to vector<640x1xf32>
    %add3A_98 = arith.addf %div3A_93, %add3A_97 : vector<640x1xf32>
    %rsqrt3A_99 = math.rsqrt %add3A_98 : vector<640x1xf32>
    %mul3A_100 = vector.broadcast %rsqrt3A_99 : vector<640x1xf32> to vector<640x128xf32>
    %mul3A_101 = arith.mulf %sub3A_95, %mul3A_100 : vector<640x128xf32>
    %mul3A_102 = vector.broadcast %get3A_75 : vector<1x128xf32> to vector<640x128xf32>
    %mul3A_103 = arith.mulf %mul3A_101, %mul3A_102 : vector<640x128xf32>
    %add3A_104 = vector.broadcast %get3A_78 : vector<1x128xf32> to vector<640x128xf32>
    %add3A_105 = arith.addf %mul3A_103, %add3A_104 : vector<640x128xf32>
    %max3A_106 = arith.constant 0.000000e+00 : f32
    %max3A_107 = vector.broadcast %max3A_106 : f32 to vector<640x128xf32>
    %max3A_108 = arith.maximumf %add3A_105, %max3A_107 : vector<640x128xf32>
    %add3A_109 = arith.addf %get3A_72, %max3A_108 : vector<640x128xf32>
    %swap3A = arith.constant 0 : index
    %swap3A_110 = arith.constant 0 : index
    %swap3A_111 = vector.load %arg11[%swap3A, %swap3A_110] : memref<640x128xf32, #tpu.memory_space<vmem>>, vector<640x128xf32>
    tpu.vector_store %arg11[%swap3A, %swap3A_110], %add3A_109 {strides = array<i32>} : memref<640x128xf32, #tpu.memory_space<vmem>>, vector<640x128xf32>,
    return
  }
  func.func @transform_0(%arg0: i32) -> (i32, i32, i32) {
    %c0_i32 = arith.constant 0 : i32
    %c0_i32_0 = arith.constant 0 : i32
    %c0_i32_1 = arith.constant 0 : i32
    return %c0_i32, %arg0, %c0_i32_0 : i32, i32, i32
  }
  func.func @transform_1(%arg0: i32) -> (i32, i32) {
    %c0_i32 = arith.constant 0 : i32
    %c0_i32_0 = arith.constant 0 : i32
    return %arg0, %c0_i32 : i32, i32
  }
  func.func @transform_2(%arg0: i32) -> (i32, i32) {
    %c0_i32 = arith.constant 0 : i32
    %c0_i32_0 = arith.constant 0 : i32
    %c0_i32_1 = arith.constant 0 : i32
    return %c0_i32, %c0_i32_0 : i32, i32
  }
  func.func @transform_3(%arg0: i32) -> (i32, i32) {
    %c0_i32 = arith.constant 0 : i32
    %c0_i32_0 = arith.constant 0 : i32
    %c0_i32_1 = arith.constant 0 : i32
    return %c0_i32, %c0_i32_0 : i32, i32
  }
  func.func @transform_4(%arg0: i32) -> (i32, i32) {
    %c0_i32 = arith.constant 0 : i32
    %c0_i32_0 = arith.constant 0 : i32
    %c0_i32_1 = arith.constant 0 : i32
    return %c0_i32, %c0_i32_0 : i32, i32
  }
  func.func @transform_5(%arg0: i32) -> (i32, i32) {
    %c0_i32 = arith.constant 0 : i32
    %c0_i32_0 = arith.constant 0 : i32
    %c0_i32_1 = arith.constant 0 : i32
    return %c0_i32, %c0_i32_0 : i32, i32
  }
  func.func @transform_6(%arg0: i32) -> (i32, i32) {
    %c0_i32 = arith.constant 0 : i32
    %c0_i32_0 = arith.constant 0 : i32
    %c0_i32_1 = arith.constant 0 : i32
    return %c0_i32, %c0_i32_0 : i32, i32
  }
  func.func @transform_7(%arg0: i32) -> (i32, i32) {
    %c0_i32 = arith.constant 0 : i32
    %c0_i32_0 = arith.constant 0 : i32
    %c0_i32_1 = arith.constant 0 : i32
    return %c0_i32, %c0_i32_0 : i32, i32
  }
  func.func @transform_8(%arg0: i32) -> (i32, i32) {
    %c0_i32 = arith.constant 0 : i32
    %c0_i32_0 = arith.constant 0 : i32
    %c0_i32_1 = arith.constant 0 : i32
    return %c0_i32, %c0_i32_0 : i32, i32
  }
  func.func @transform_9(%arg0: i32) -> (i32, i32) {
    %c0_i32 = arith.constant 0 : i32
    %c0_i32_0 = arith.constant 0 : i32
    %c0_i32_1 = arith.constant 0 : i32
    return %c0_i32, %c0_i32_0 : i32, i32
  }
  func.func @transform_10(%arg0: i32) -> (i32, i32) {
    %c0_i32 = arith.constant 0 : i32
    %c0_i32_0 = arith.constant 0 : i32
    return %arg0, %c0_i32 : i32, i32
  }
}

module attributes {stable_mosaic.version = 14 : i64} {
  func.func @_tail_body(%arg0: i32, %arg1: memref<400x128xf32, #tpu.memory_space<vmem>>, %arg2: memref<400x128xf32, #tpu.memory_space<vmem>>, %arg3: memref<400x128xf32, #tpu.memory_space<vmem>>, %arg4: memref<400x128xf32, #tpu.memory_space<vmem>>, %arg5: memref<512x512xf32, #tpu.memory_space<vmem>>, %arg6: memref<1x512xf32, #tpu.memory_space<vmem>>, %arg7: memref<512x512xf32, #tpu.memory_space<vmem>>, %arg8: memref<1x512xf32, #tpu.memory_space<vmem>>, %arg9: memref<512x512xf32, #tpu.memory_space<vmem>>, %arg10: memref<1x512xf32, #tpu.memory_space<vmem>>, %arg11: memref<512x1xf32, #tpu.memory_space<vmem>>, %arg12: memref<1x1xf32, #tpu.memory_space<vmem>>, %arg13: memref<512x512xf32, #tpu.memory_space<vmem>>, %arg14: memref<1x512xf32, #tpu.memory_space<vmem>>, %arg15: memref<512x1xf32, #tpu.memory_space<vmem>>, %arg16: memref<1x1xf32, #tpu.memory_space<vmem>>, %arg17: memref<1x1xf32, #tpu.memory_space<vmem>>, %arg18: memref<8x512xf32, #tpu.memory_space<vmem>>, %arg19: memref<2xf32, #tpu.memory_space<smem>>) attributes {dimension_semantics = [#tpu.dimension_semantics<arbitrary>], iteration_bounds = array<i64: 25>, scalar_prefetch = 0 : i64, scratch_operands = 2 : i64, tpu.core_type = #tpu.core_type<tc>, window_params = [{transform_indices = @transform_0, window_bounds = array<i64: 400, 128>}, {transform_indices = @transform_1, window_bounds = array<i64: 400, 128>}, {transform_indices = @transform_2, window_bounds = array<i64: 400, 128>}, {transform_indices = @transform_3, window_bounds = array<i64: 400, 128>}, {pipeline_mode = #tpu.pipeline_mode<synchronous>, transform_indices = @transform_4, window_bounds = array<i64: 512, 512>}, {pipeline_mode = #tpu.pipeline_mode<synchronous>, transform_indices = @transform_5, window_bounds = array<i64: 1, 512>}, {pipeline_mode = #tpu.pipeline_mode<synchronous>, transform_indices = @transform_6, window_bounds = array<i64: 512, 512>}, {pipeline_mode = #tpu.pipeline_mode<synchronous>, transform_indices = @transform_7, window_bounds = array<i64: 1, 512>}, {pipeline_mode = #tpu.pipeline_mode<synchronous>, transform_indices = @transform_8, window_bounds = array<i64: 512, 512>}, {pipeline_mode = #tpu.pipeline_mode<synchronous>, transform_indices = @transform_9, window_bounds = array<i64: 1, 512>}, {pipeline_mode = #tpu.pipeline_mode<synchronous>, transform_indices = @transform_10, window_bounds = array<i64: 512, 1>}, {pipeline_mode = #tpu.pipeline_mode<synchronous>, transform_indices = @transform_11, window_bounds = array<i64: 1, 1>}, {pipeline_mode = #tpu.pipeline_mode<synchronous>, transform_indices = @transform_12, window_bounds = array<i64: 512, 512>}, {pipeline_mode = #tpu.pipeline_mode<synchronous>, transform_indices = @transform_13, window_bounds = array<i64: 1, 512>}, {pipeline_mode = #tpu.pipeline_mode<synchronous>, transform_indices = @transform_14, window_bounds = array<i64: 512, 1>}, {pipeline_mode = #tpu.pipeline_mode<synchronous>, transform_indices = @transform_15, window_bounds = array<i64: 1, 1>}, {pipeline_mode = #tpu.pipeline_mode<synchronous>, transform_indices = @transform_16, window_bounds = array<i64: 1, 1>}]} {
    %eq3A = arith.constant 0 : i32
    %eq3A_0 = arith.cmpi eq, %arg0, %eq3A : i32
    %convert_element_type3A = arith.extui %eq3A_0 : i1 to i32
    %cond3A = arith.constant 0 : i32
    %cond3A_1 = arith.cmpi ne, %convert_element_type3A, %cond3A : i32
    scf.if %cond3A_1 {
      %swap3A_97 = arith.constant -1.000000e+30 : f32
      %swap3A_98 = arith.constant 0 : index
      %swap3A_99 = memref.load %arg19[%swap3A_98] : memref<2xf32, #tpu.memory_space<smem>>
      memref.store %swap3A_97, %arg19[%swap3A_98] : memref<2xf32, #tpu.memory_space<smem>>
      %swap3A_100 = arith.constant 0.000000e+00 : f32
      %swap3A_101 = arith.constant 1 : index
      %swap3A_102 = memref.load %arg19[%swap3A_101] : memref<2xf32, #tpu.memory_space<smem>>
      memref.store %swap3A_100, %arg19[%swap3A_101] : memref<2xf32, #tpu.memory_space<smem>>
      %broadcast_in_dim3A_103 = arith.constant 0.000000e+00 : f32
      %broadcast_in_dim3A_104 = vector.broadcast %broadcast_in_dim3A_103 : f32 to vector<1x512xf32>
      %swap3A_105 = arith.constant 0 : index
      %swap3A_106 = arith.constant 0 : index
      %swap3A_107 = vector.load %arg18[%swap3A_105, %swap3A_106] : memref<8x512xf32, #tpu.memory_space<vmem>>, vector<1x512xf32>
      tpu.vector_store %arg18[%swap3A_105, %swap3A_106], %broadcast_in_dim3A_104 {strides = array<i32>} : memref<8x512xf32, #tpu.memory_space<vmem>>, vector<1x512xf32>,
    } else {
    }
    %get3A = arith.constant 0 : index
    %get3A_2 = arith.constant 0 : index
    %get3A_3 = vector.load %arg1[%get3A, %get3A_2] : memref<400x128xf32, #tpu.memory_space<vmem>>, vector<400x128xf32>
    %get3A_4 = arith.constant 0 : index
    %get3A_5 = arith.constant 0 : index
    %get3A_6 = vector.load %arg2[%get3A_4, %get3A_5] : memref<400x128xf32, #tpu.memory_space<vmem>>, vector<400x128xf32>
    %get3A_7 = arith.constant 0 : index
    %get3A_8 = arith.constant 0 : index
    %get3A_9 = vector.load %arg3[%get3A_7, %get3A_8] : memref<400x128xf32, #tpu.memory_space<vmem>>, vector<400x128xf32>
    %get3A_10 = arith.constant 0 : index
    %get3A_11 = arith.constant 0 : index
    %get3A_12 = vector.load %arg4[%get3A_10, %get3A_11] : memref<400x128xf32, #tpu.memory_space<vmem>>, vector<400x128xf32>
    %concatenate3A = tpu.concatenate %get3A_3, %get3A_6, %get3A_9, %get3A_12 in 1 : vector<400x128xf32>, vector<400x128xf32>, vector<400x128xf32>, vector<400x128xf32> -> vector<400x512xf32>
    %get3A_13 = arith.constant 0 : index
    %get3A_14 = arith.constant 0 : index
    %get3A_15 = vector.load %arg5[%get3A_13, %get3A_14] : memref<512x512xf32, #tpu.memory_space<vmem>>, vector<512x512xf32>
    %dot_general3A = arith.constant dense<0.000000e+00> : vector<400x512xf32>
    %dot_general3A_16 = tpu.matmul %concatenate3A, %get3A_15, %dot_general3A {dimension_numbers = #tpu.dot_dimension_numbers<[1], [0], [0], [1], [0, 0, 1, 1], [], []>, transpose_lhs_hint = false} : vector<400x512xf32>, vector<512x512xf32>, vector<400x512xf32> -> vector<400x512xf32>
    %get3A_17 = arith.constant 0 : index
    %get3A_18 = arith.constant 0 : index
    %get3A_19 = vector.load %arg6[%get3A_17, %get3A_18] : memref<1x512xf32, #tpu.memory_space<vmem>>, vector<1x512xf32>
    %add3A = vector.broadcast %get3A_19 : vector<1x512xf32> to vector<400x512xf32>
    %add3A_20 = arith.addf %dot_general3A_16, %add3A : vector<400x512xf32>
    %max3A = arith.constant 0.000000e+00 : f32
    %max3A_21 = vector.broadcast %max3A : f32 to vector<400x512xf32>
    %max3A_22 = arith.maximumf %add3A_20, %max3A_21 : vector<400x512xf32>
    %get3A_23 = arith.constant 0 : index
    %get3A_24 = arith.constant 0 : index
    %get3A_25 = vector.load %arg7[%get3A_23, %get3A_24] : memref<512x512xf32, #tpu.memory_space<vmem>>, vector<512x512xf32>
    %dot_general3A_26 = arith.constant dense<0.000000e+00> : vector<400x512xf32>
    %dot_general3A_27 = tpu.matmul %max3A_22, %get3A_25, %dot_general3A_26 {dimension_numbers = #tpu.dot_dimension_numbers<[1], [0], [0], [1], [0, 0, 1, 1], [], []>, transpose_lhs_hint = false} : vector<400x512xf32>, vector<512x512xf32>, vector<400x512xf32> -> vector<400x512xf32>
    %get3A_28 = arith.constant 0 : index
    %get3A_29 = arith.constant 0 : index
    %get3A_30 = vector.load %arg8[%get3A_28, %get3A_29] : memref<1x512xf32, #tpu.memory_space<vmem>>, vector<1x512xf32>
    %add3A_31 = vector.broadcast %get3A_30 : vector<1x512xf32> to vector<400x512xf32>
    %add3A_32 = arith.addf %dot_general3A_27, %add3A_31 : vector<400x512xf32>
    %tanh3A = math.tanh %add3A_32 : vector<400x512xf32>
    %get3A_33 = arith.constant 0 : index
    %get3A_34 = arith.constant 0 : index
    %get3A_35 = vector.load %arg9[%get3A_33, %get3A_34] : memref<512x512xf32, #tpu.memory_space<vmem>>, vector<512x512xf32>
    %dot_general3A_36 = arith.constant dense<0.000000e+00> : vector<400x512xf32>
    %dot_general3A_37 = tpu.matmul %max3A_22, %get3A_35, %dot_general3A_36 {dimension_numbers = #tpu.dot_dimension_numbers<[1], [0], [0], [1], [0, 0, 1, 1], [], []>, transpose_lhs_hint = false} : vector<400x512xf32>, vector<512x512xf32>, vector<400x512xf32> -> vector<400x512xf32>
    %get3A_38 = arith.constant 0 : index
    %get3A_39 = arith.constant 0 : index
    %get3A_40 = vector.load %arg10[%get3A_38, %get3A_39] : memref<1x512xf32, #tpu.memory_space<vmem>>, vector<1x512xf32>
    %add3A_41 = vector.broadcast %get3A_40 : vector<1x512xf32> to vector<400x512xf32>
    %add3A_42 = arith.addf %dot_general3A_37, %add3A_41 : vector<400x512xf32>
    %logistic3A = arith.negf %add3A_42 : vector<400x512xf32>
    %logistic3A_43 = math.exp %logistic3A : vector<400x512xf32>
    %logistic3A_44 = arith.constant 1.000000e+00 : f32
    %logistic3A_45 = vector.broadcast %logistic3A_44 : f32 to vector<400x512xf32>
    %logistic3A_46 = arith.addf %logistic3A_45, %logistic3A_43 : vector<400x512xf32>
    %logistic3A_47 = arith.divf %logistic3A_45, %logistic3A_46 : vector<400x512xf32>
    %mul3A = arith.mulf %tanh3A, %logistic3A_47 : vector<400x512xf32>
    %get3A_48 = arith.constant 0 : index
    %get3A_49 = arith.constant 0 : index
    %get3A_50 = vector.load %arg11[%get3A_48, %get3A_49] : memref<512x1xf32, #tpu.memory_space<vmem>>, vector<512x1xf32>
    %dot_general3A_51 = arith.constant dense<0.000000e+00> : vector<400x1xf32>
    %dot_general3A_52 = tpu.matmul %mul3A, %get3A_50, %dot_general3A_51 {dimension_numbers = #tpu.dot_dimension_numbers<[1], [0], [0], [1], [0, 0, 1, 1], [], []>, transpose_lhs_hint = false} : vector<400x512xf32>, vector<512x1xf32>, vector<400x1xf32> -> vector<400x1xf32>
    %get3A_53 = arith.constant 0 : index
    %get3A_54 = arith.constant 0 : index
    %get3A_55 = vector.load %arg12[%get3A_53, %get3A_54] : memref<1x1xf32, #tpu.memory_space<vmem>>, vector<1x1xf32>
    %add3A_56 = vector.broadcast %get3A_55 : vector<1x1xf32> to vector<400x1xf32>
    %add3A_57 = arith.addf %dot_general3A_52, %add3A_56 : vector<400x1xf32>
    %reduce_max3A = vector.shape_cast %add3A_57 : vector<400x1xf32> to vector<1x400x1xf32>
    %reduce_max3A_58 = arith.constant dense<0xFF800000> : vector<1xf32>
    %reduce_max3A_59 = vector.multi_reduction <maximumf>, %reduce_max3A, %reduce_max3A_58 [1, 2] : vector<1x400x1xf32> to vector<1xf32>
    %reduce_max3A_60 = vector.shape_cast %reduce_max3A_59 : vector<1xf32> to vector<1x1x1xf32>
    %reduce_max3A_61 = vector.extract %reduce_max3A_60[0, 0, 0] : f32 from vector<1x1x1xf32>
    %get3A_62 = arith.constant 0 : index
    %get3A_63 = memref.load %arg19[%get3A_62] : memref<2xf32, #tpu.memory_space<smem>>
    %max3A_64 = arith.maximumf %get3A_63, %reduce_max3A_61 : f32
    %sub3A = arith.subf %get3A_63, %max3A_64 : f32
    %exp3A = math.exp %sub3A : f32
    %sub3A_65 = vector.broadcast %max3A_64 : f32 to vector<400x1xf32>
    %sub3A_66 = arith.subf %add3A_57, %sub3A_65 : vector<400x1xf32>
    %exp3A_67 = math.exp %sub3A_66 : vector<400x1xf32>
    %swap3A = arith.constant 0 : index
    %swap3A_68 = memref.load %arg19[%swap3A] : memref<2xf32, #tpu.memory_space<smem>>
    memref.store %max3A_64, %arg19[%swap3A] : memref<2xf32, #tpu.memory_space<smem>>
    %get3A_69 = arith.constant 1 : index
    %get3A_70 = memref.load %arg19[%get3A_69] : memref<2xf32, #tpu.memory_space<smem>>
    %mul3A_71 = arith.mulf %get3A_70, %exp3A : f32
    %reduce_sum3A = vector.shape_cast %exp3A_67 : vector<400x1xf32> to vector<1x400x1xf32>
    %reduce_sum3A_72 = arith.constant dense<0.000000e+00> : vector<1xf32>
    %reduce_sum3A_73 = vector.multi_reduction <add>, %reduce_sum3A, %reduce_sum3A_72 [1, 2] : vector<1x400x1xf32> to vector<1xf32>
    %reduce_sum3A_74 = vector.shape_cast %reduce_sum3A_73 : vector<1xf32> to vector<1x1x1xf32>
    %reduce_sum3A_75 = vector.extract %reduce_sum3A_74[0, 0, 0] : f32 from vector<1x1x1xf32>
    %add3A_76 = arith.addf %mul3A_71, %reduce_sum3A_75 : f32
    %swap3A_77 = arith.constant 1 : index
    %swap3A_78 = memref.load %arg19[%swap3A_77] : memref<2xf32, #tpu.memory_space<smem>>
    memref.store %add3A_76, %arg19[%swap3A_77] : memref<2xf32, #tpu.memory_space<smem>>
    %get3A_79 = arith.constant 0 : index
    %get3A_80 = arith.constant 0 : index
    %get3A_81 = vector.load %arg18[%get3A_79, %get3A_80] : memref<8x512xf32, #tpu.memory_space<vmem>>, vector<1x512xf32>
    %mul3A_82 = vector.broadcast %exp3A : f32 to vector<1x512xf32>
    %mul3A_83 = arith.mulf %get3A_81, %mul3A_82 : vector<1x512xf32>
    %mul3A_84 = vector.broadcast %exp3A_67 : vector<400x1xf32> to vector<400x512xf32>
    %mul3A_85 = arith.mulf %mul3A_84, %max3A_22 : vector<400x512xf32>
    %reduce_sum3A_86 = arith.constant dense<0.000000e+00> : vector<512xf32>
    %reduce_sum3A_87 = vector.multi_reduction <add>, %mul3A_85, %reduce_sum3A_86 [0] : vector<400x512xf32> to vector<512xf32>
    %broadcast_in_dim3A = vector.shape_cast %reduce_sum3A_87 : vector<512xf32> to vector<1x512xf32>
    %add3A_88 = arith.addf %mul3A_83, %broadcast_in_dim3A : vector<1x512xf32>
    %swap3A_89 = arith.constant 0 : index
    %swap3A_90 = arith.constant 0 : index
    %swap3A_91 = vector.load %arg18[%swap3A_89, %swap3A_90] : memref<8x512xf32, #tpu.memory_space<vmem>>, vector<1x512xf32>
    tpu.vector_store %arg18[%swap3A_89, %swap3A_90], %add3A_88 {strides = array<i32>} : memref<8x512xf32, #tpu.memory_space<vmem>>, vector<1x512xf32>,
    %eq3A_92 = arith.constant 24 : i32
    %eq3A_93 = arith.cmpi eq, %arg0, %eq3A_92 : i32
    %convert_element_type3A_94 = arith.extui %eq3A_93 : i1 to i32
    %cond3A_95 = arith.constant 0 : i32
    %cond3A_96 = arith.cmpi ne, %convert_element_type3A_94, %cond3A_95 : i32
    scf.if %cond3A_96 {
      %get3A_97 = arith.constant 0 : index
      %get3A_98 = arith.constant 0 : index
      %get3A_99 = vector.load %arg18[%get3A_97, %get3A_98] : memref<8x512xf32, #tpu.memory_space<vmem>>, vector<1x512xf32>
      %get3A_100 = arith.constant 1 : index
      %get3A_101 = memref.load %arg19[%get3A_100] : memref<2xf32, #tpu.memory_space<smem>>
      %div3A = vector.broadcast %get3A_101 : f32 to vector<1x512xf32>
      %div3A_102 = arith.divf %get3A_99, %div3A : vector<1x512xf32>
      %get3A_103 = arith.constant 0 : index
      %get3A_104 = arith.constant 0 : index
      %get3A_105 = vector.load %arg13[%get3A_103, %get3A_104] : memref<512x512xf32, #tpu.memory_space<vmem>>, vector<512x512xf32>
      %dot_general3A_106 = arith.constant dense<0.000000e+00> : vector<1x512xf32>
      %dot_general3A_107 = tpu.matmul %div3A_102, %get3A_105, %dot_general3A_106 {dimension_numbers = #tpu.dot_dimension_numbers<[1], [0], [0], [1], [0, 0, 1, 1], [], []>, transpose_lhs_hint = false} : vector<1x512xf32>, vector<512x512xf32>, vector<1x512xf32> -> vector<1x512xf32>
      %get3A_108 = arith.constant 0 : index
      %get3A_109 = arith.constant 0 : index
      %get3A_110 = vector.load %arg14[%get3A_108, %get3A_109] : memref<1x512xf32, #tpu.memory_space<vmem>>, vector<1x512xf32>
      %add3A_111 = arith.addf %dot_general3A_107, %get3A_110 : vector<1x512xf32>
      %max3A_112 = arith.constant 0.000000e+00 : f32
      %max3A_113 = vector.broadcast %max3A_112 : f32 to vector<1x512xf32>
      %max3A_114 = arith.maximumf %add3A_111, %max3A_113 : vector<1x512xf32>
      %get3A_115 = arith.constant 0 : index
      %get3A_116 = arith.constant 0 : index
      %get3A_117 = vector.load %arg15[%get3A_115, %get3A_116] : memref<512x1xf32, #tpu.memory_space<vmem>>, vector<512x1xf32>
      %dot_general3A_118 = arith.constant dense<0.000000e+00> : vector<1x1xf32>
      %dot_general3A_119 = tpu.matmul %max3A_114, %get3A_117, %dot_general3A_118 {dimension_numbers = #tpu.dot_dimension_numbers<[1], [0], [0], [1], [0, 0, 1, 1], [], []>, transpose_lhs_hint = false} : vector<1x512xf32>, vector<512x1xf32>, vector<1x1xf32> -> vector<1x1xf32>
      %get3A_120 = arith.constant 0 : index
      %get3A_121 = arith.constant 0 : index
      %get3A_122 = vector.load %arg16[%get3A_120, %get3A_121] : memref<1x1xf32, #tpu.memory_space<vmem>>, vector<1x1xf32>
      %add3A_123 = arith.addf %dot_general3A_119, %get3A_122 : vector<1x1xf32>
      %logistic3A_124 = arith.negf %add3A_123 : vector<1x1xf32>
      %logistic3A_125 = math.exp %logistic3A_124 : vector<1x1xf32>
      %logistic3A_126 = arith.constant 1.000000e+00 : f32
      %logistic3A_127 = vector.broadcast %logistic3A_126 : f32 to vector<1x1xf32>
      %logistic3A_128 = arith.addf %logistic3A_127, %logistic3A_125 : vector<1x1xf32>
      %logistic3A_129 = arith.divf %logistic3A_127, %logistic3A_128 : vector<1x1xf32>
      %swap3A_130 = arith.constant 0 : index
      %swap3A_131 = arith.constant 0 : index
      %swap3A_132 = vector.load %arg17[%swap3A_130, %swap3A_131] : memref<1x1xf32, #tpu.memory_space<vmem>>, vector<1x1xf32>
      tpu.vector_store %arg17[%swap3A_130, %swap3A_131], %logistic3A_129 {strides = array<i32>} : memref<1x1xf32, #tpu.memory_space<vmem>>, vector<1x1xf32>,
    } else {
    }
    return
  }
  func.func @transform_0(%arg0: i32) -> (i32, i32) {
    %c0_i32 = arith.constant 0 : i32
    %c0_i32_0 = arith.constant 0 : i32
    return %arg0, %c0_i32 : i32, i32
  }
  func.func @transform_1(%arg0: i32) -> (i32, i32) {
    %c0_i32 = arith.constant 0 : i32
    %c0_i32_0 = arith.constant 0 : i32
    return %arg0, %c0_i32 : i32, i32
  }
  func.func @transform_2(%arg0: i32) -> (i32, i32) {
    %c0_i32 = arith.constant 0 : i32
    %c0_i32_0 = arith.constant 0 : i32
    return %arg0, %c0_i32 : i32, i32
  }
  func.func @transform_3(%arg0: i32) -> (i32, i32) {
    %c0_i32 = arith.constant 0 : i32
    %c0_i32_0 = arith.constant 0 : i32
    return %arg0, %c0_i32 : i32, i32
  }
  func.func @transform_4(%arg0: i32) -> (i32, i32) {
    %c0_i32 = arith.constant 0 : i32
    %c0_i32_0 = arith.constant 0 : i32
    %c0_i32_1 = arith.constant 0 : i32
    return %c0_i32, %c0_i32_0 : i32, i32
  }
  func.func @transform_5(%arg0: i32) -> (i32, i32) {
    %c0_i32 = arith.constant 0 : i32
    %c0_i32_0 = arith.constant 0 : i32
    %c0_i32_1 = arith.constant 0 : i32
    return %c0_i32, %c0_i32_0 : i32, i32
  }
  func.func @transform_6(%arg0: i32) -> (i32, i32) {
    %c0_i32 = arith.constant 0 : i32
    %c0_i32_0 = arith.constant 0 : i32
    %c0_i32_1 = arith.constant 0 : i32
    return %c0_i32, %c0_i32_0 : i32, i32
  }
  func.func @transform_7(%arg0: i32) -> (i32, i32) {
    %c0_i32 = arith.constant 0 : i32
    %c0_i32_0 = arith.constant 0 : i32
    %c0_i32_1 = arith.constant 0 : i32
    return %c0_i32, %c0_i32_0 : i32, i32
  }
  func.func @transform_8(%arg0: i32) -> (i32, i32) {
    %c0_i32 = arith.constant 0 : i32
    %c0_i32_0 = arith.constant 0 : i32
    %c0_i32_1 = arith.constant 0 : i32
    return %c0_i32, %c0_i32_0 : i32, i32
  }
  func.func @transform_9(%arg0: i32) -> (i32, i32) {
    %c0_i32 = arith.constant 0 : i32
    %c0_i32_0 = arith.constant 0 : i32
    %c0_i32_1 = arith.constant 0 : i32
    return %c0_i32, %c0_i32_0 : i32, i32
  }
  func.func @transform_10(%arg0: i32) -> (i32, i32) {
    %c0_i32 = arith.constant 0 : i32
    %c0_i32_0 = arith.constant 0 : i32
    %c0_i32_1 = arith.constant 0 : i32
    return %c0_i32, %c0_i32_0 : i32, i32
  }
  func.func @transform_11(%arg0: i32) -> (i32, i32) {
    %c0_i32 = arith.constant 0 : i32
    %c0_i32_0 = arith.constant 0 : i32
    %c0_i32_1 = arith.constant 0 : i32
    return %c0_i32, %c0_i32_0 : i32, i32
  }
  func.func @transform_12(%arg0: i32) -> (i32, i32) {
    %c0_i32 = arith.constant 0 : i32
    %c0_i32_0 = arith.constant 0 : i32
    %c0_i32_1 = arith.constant 0 : i32
    return %c0_i32, %c0_i32_0 : i32, i32
  }
  func.func @transform_13(%arg0: i32) -> (i32, i32) {
    %c0_i32 = arith.constant 0 : i32
    %c0_i32_0 = arith.constant 0 : i32
    %c0_i32_1 = arith.constant 0 : i32
    return %c0_i32, %c0_i32_0 : i32, i32
  }
  func.func @transform_14(%arg0: i32) -> (i32, i32) {
    %c0_i32 = arith.constant 0 : i32
    %c0_i32_0 = arith.constant 0 : i32
    %c0_i32_1 = arith.constant 0 : i32
    return %c0_i32, %c0_i32_0 : i32, i32
  }
  func.func @transform_15(%arg0: i32) -> (i32, i32) {
    %c0_i32 = arith.constant 0 : i32
    %c0_i32_0 = arith.constant 0 : i32
    %c0_i32_1 = arith.constant 0 : i32
    return %c0_i32, %c0_i32_0 : i32, i32
  }
  func.func @transform_16(%arg0: i32) -> (i32, i32) {
    %c0_i32 = arith.constant 0 : i32
    %c0_i32_0 = arith.constant 0 : i32
    %c0_i32_1 = arith.constant 0 : i32
    return %c0_i32, %c0_i32_0 : i32, i32
  }
}

</mosaic_0001>

<sc_bundles>
// kernel: kernel.10.cloned.1.call-start
scs
__scs_entry_jumppad:
0x0: {  	(pc) =	sbr.rel $0x88, $3  }
0x1: {  	(tag) =	ssettag $0x0;
	lr =	simm.s32 $0x1  }
0x2: {  	[smem:$0x3F76] =	sst lr;
	_ =	strace $0xD0000000  }
0x3: {  	_ = 	snop  }
0x4: {  	_ = 	snop  }
0x5: {  	_ = 	snop  }
0x6: {  	_ = 	snop  }
0x7: {  	_ = 	snop  }
__scs_overlays_trampoline_lowered:
0x8: {  	[smem:$0x3F85] =	sst s0  }
0x9: {  	[smem:$0x3F86] =	sst s1  }
0xa: {  	[smem:$0x3F87] =	sst s2  }
0xb: {  	[smem:$0x3F88] =	sst s3  }
0xc: {  	[smem:$0x3F89] =	sst s4  }
0xd: {  	[smem:$0x3F8A] =	sst s5  }
0xe: {  	[smem:$0x3F8B] =	sst s6  }
0xf: {  	[smem:$0x3F8C] =	sst s7  }
0x10: {  	[smem:$0x3F8D] =	sst s8  }
0x11: {  	[smem:$0x3F8E] =	sst s9;
	s0 =	simm.s32 @!p0 $0x0  }
0x12: {  	s1 =	sld [smem:$0x3F74];
	s0 =	simm.s32 @p0 $0x1  }
0x13: {  	[smem:$0x3F8F] =	sst s0;
	s0 =	simm.s32 @!p1 $0x0  }
0x14: {  	s2 =	sld [smem:$0x3F73];
	s0 =	simm.s32 @p1 $0x1  }
0x15: {  	[smem:$0x3F90] =	sst s0;
	s0 =	simm.s32 @!p2 $0x0  }
0x16: {  	s3 =	sld [smem:$0x3FDB];
	s0 =	simm.s32 @p2 $0x1  }
0x17: {  	s4 =	simm.s32 $0x1BF5;
	[smem:$0x3F92] =	sst s0  }
0x18: {  	s0 =	sld [smem:$0x3F75];
	_ =	swait.ge [sflag:s4], $0x0  }
0x19: {  	s7 =	sld [smem:$0x3F76]  }
0x1a: {  	s8 =	sadd.s32 $0xFFFFE003, lr  }
0x1b: {  	s9 =	sadd.s32 $0xFFFFFEF7, lr;
	s5 =	simm.s32 $0xFFFFFFFF;
	p2 =	slt.u32 s8, $0xFFFFF086  }
0x1c: {  	p1 =	slt.u32 s9, $0xF7A;
	s5 =	simm.s32 @!p2 $0x0  }
0x1d: {  	s5 =	simm.s32 @p1 $0x1;
	p0 =	seq.s32 s7, s2  }
0x1e: {  	s7 =	smul.u32 @!p0 $0xF7A, s2;
	p2 =	seq.s32 @!p0 s5, $0x0  }
0x1f: {  	s9 =	smul.u32 $0xF7A, s1;
	s8 =	simm.s32 @!p0 $0x1BF5;
	p2 =	por !p2, p0  }
0x20: {  	[sflag:s8] =	ssyncset.s32 @!p0 $0xFFFFF086;
	s6 =	sadd.s32 @!p0 s3, s7;
	s7 =	simm.s32 @!p0 $0x108  }
0x21: {  	s3 =	sadd.s32 s3, s9;
	s6 =	sadd.s32 @!p0 $0x88, s6;
	s7 =	simm.s32 @p2 $0x1082  }
0x22: {  	[simem:s7], [sflag:s8] =	dma.local @!p0 [hbm:s6], $0xF7A  }
0x23: {  	s9 =	sor.u32 $0xD0000000, s2;
	s6 =	simm.s32 $0x108;
	_ =	swait.ge @!p0 [sflag:s8], $0x0  }
0x24: {  	s3 =	sadd.s32 $0x88, s3;
	s6 =	simm.s32 @!p1 $0x1082;
	[sflag:s4] =	ssyncset.s32 $0xFFFFF086  }
0x25: {  	[simem:s6], [sflag:s4] =	dma.local [hbm:s3], $0xF7A  }
0x26: {  	[smem:$0x3F76] =	sst s1;
	(tag) =	ssettag s2;
	_ =	strace s9  }
0x27: {  	s1 =	sld [smem:$0x3F86]  }
0x28: {  	s2 =	sld [smem:$0x3F87]  }
0x29: {  	s4 =	sld [smem:$0x3F89]  }
0x2a: {  	p0 =	seq.s32 s5, $0x0;
	s5 =	sld [smem:$0x3F8A]  }
0x2b: {  	s6 =	sld [smem:$0x3F8B]  }
0x2c: {  	s7 =	sld [smem:$0x3F8C]  }
0x2d: {  	s3 =	simm.s32 $0x108;
	s8 =	sld [smem:$0x3F8D]  }
0x2e: {  	s3 =	simm.s32 @!p0 $0x1082;
	s9 =	sld [smem:$0x3F8E]  }
0x2f: {  	lr =	sadd.s32 s0, s3;
	s0 =	sld [smem:$0x3F85]  }
0x30: {  	s3 =	sld [smem:$0x3F88]  }
0x31: {  	[smem:$0x3F91] =	sst s10  }
0x32: {  	s10 =	sld [smem:$0x3F8F];
	_ =	sdelay $0x3  }
0x33: {  	p0 =	seq.s32 s10, $0x1;
	s10 =	sld [smem:$0x3F91];
	_ =	sdelay $0x3  }
0x34: {  	[smem:$0x3F91] =	sst s10  }
0x35: {  	s10 =	sld [smem:$0x3F90];
	_ =	sdelay $0x3  }
0x36: {  	p1 =	seq.s32 s10, $0x1;
	s10 =	sld [smem:$0x3F91];
	_ =	sdelay $0x3  }
0x37: {  	[smem:$0x3F91] =	sst s10  }
0x38: {  	s10 =	sld [smem:$0x3F92]  }
0x39: {  	_ = 	snop;
	(pc) =	sbr.ind lr, $3  }
0x3a: {  	_ = 	snop  }
0x3b: {  	_ = 	snop  }
0x3c: {  	p2 =	seq.s32 s10, $0x1;
	s10 =	sld [smem:$0x3F91]  }
0x3d: {  	_ =	shalt  }
0x3e: {  	_ =	shalt  }
0x3f: {  	_ =	shalt  }
0x40: {  	_ =	shalt  }
0x41: {  	_ =	shalt  }
0x42: {  	_ =	shalt  }
0x43: {  	_ =	shalt  }
0x44: {  	_ =	shalt  }
0x45: {  	_ =	shalt  }
0x46: {  	_ =	shalt  }
0x47: {  	_ =	shalt  }
0x48: {  	_ =	shalt  }
0x49: {  	_ =	shalt  }
0x4a: {  	_ =	shalt  }
0x4b: {  	_ =	shalt  }
0x4c: {  	_ =	shalt  }
0x4d: {  	_ =	shalt  }
0x4e: {  	_ =	shalt  }
0x4f: {  	_ =	shalt  }
0x50: {  	_ =	shalt  }
0x51: {  	_ =	shalt  }
0x52: {  	_ =	shalt  }
0x53: {  	_ =	shalt  }
0x54: {  	_ =	shalt  }
0x55: {  	_ =	shalt  }
0x56: {  	_ =	shalt  }
0x57: {  	_ =	shalt  }
0x58: {  	_ =	shalt  }
0x59: {  	_ =	shalt  }
0x5a: {  	_ =	shalt  }
0x5b: {  	_ =	shalt  }
0x5c: {  	_ =	shalt  }
0x5d: {  	_ =	shalt  }
0x5e: {  	_ =	shalt  }
0x5f: {  	_ =	shalt  }
0x60: {  	_ =	shalt  }
0x61: {  	_ =	shalt  }
0x62: {  	_ =	shalt  }
0x63: {  	_ =	shalt  }
0x64: {  	_ =	shalt  }
0x65: {  	_ =	shalt  }
0x66: {  	_ =	shalt  }
0x67: {  	_ =	shalt  }
0x68: {  	_ =	shalt  }
0x69: {  	_ =	shalt  }
0x6a: {  	_ =	shalt  }
0x6b: {  	_ =	shalt  }
0x6c: {  	_ =	shalt  }
0x6d: {  	_ =	shalt  }
0x6e: {  	_ =	shalt  }
0x6f: {  	_ =	shalt  }
0x70: {  	_ =	shalt  }
0x71: {  	_ =	shalt  }
0x72: {  	_ =	shalt  }
0x73: {  	_ =	shalt  }
0x74: {  	_ =	shalt  }
0x75: {  	_ =	shalt  }
0x76: {  	_ =	shalt  }
0x77: {  	_ =	shalt  }
0x78: {  	_ =	shalt  }
0x79: {  	_ =	shalt  }
0x7a: {  	_ =	shalt  }
0x7b: {  	_ =	shalt  }
0x7c: {  	_ =	shalt  }
0x7d: {  	_ =	shalt  }
0x7e: {  	_ =	shalt  }
0x7f: {  	_ =	shalt  }
0x80: {  	_ =	shalt  }
0x81: {  	_ =	shalt  }
0x82: {  	_ =	shalt  }
0x83: {  	_ =	shalt  }
0x84: {  	_ =	shalt  }
0x85: {  	_ =	shalt  }
0x86: {  	_ =	shalt  }
0x87: {  	_ =	shalt  }
.Lfunc_end0:
.L_simem_size_0:
called_computation_lowered:
.L_overlay_start_0:
0x88: {  	s2 =	sld [smem:$0x3FD9]  }
0x89: {  	s3 =	sld [smem:$0x3FFE];
	_ =	sdelay $0x1  }
0x8a: {  	s1 =	srdreg.scid  }
0x8b: {  	s0 =	sand.u32 $0x1, s1  }
0x8c: {  	s16 =	sshll.u32 s0, $0xA;
	s2 =	sadd.s32 s3, s2  }
0x8d: {  	s2 =	sadd.s32 s2, s16  }
0x8e: {  	[smem:$0x3F9D] =	sst s2  }
0x8f: {  	_ = 	snop  }
0x90: {  	(tm) =	ssettm $0x1  }
0x91: {  	s17 =	sld [smem:$0x3FFB];
	_ =	sdelay $0x3  }
0x92: {  	_ =	strace s17  }
0x93: {  	s2 =	sld [smem:$0x3FFC];
	_ =	sdelay $0x3  }
0x94: {  	_ =	strace s2  }
0x95: {  	s2 =	sld [smem:$0x3FFD];
	_ =	sdelay $0x3  }
0x96: {  	_ =	strace s2  }
0x97: {  	_ =	strace $0x8FFFFFFF  }
0x98: {  	s18 =	sld [smem:$0x3FDB];
	_ =	sdelay $0x1  }
0x99: {  	s19 =	simm.s32 $_scs_section_size  }
0x9a: {  	s4 =	simm.s32 $_size__tile_overlayer_lowered;
	s5 =	simm.s32 $_tile_overlayer_lowered  }
0x9b: {  	s22 =	simm.s32 $0x1BFF;
	s21 =	sshll.u32 s5, $0x1;
	s2 =	sadd.s32 s19, s18  }
0x9c: {  	s6 =	simm.s32 $0x0;
	s20 =	sshll.u32 s4, $0x1;
	s4 =	sadd.s32 s21, s2  }
0x9d: {  	[timem:s6], [sflag:s22] =	dma.local [hbm:s4], s20  }
0x9e: {  	_ =	swait.ge [sflag:s22], s20  }
0x9f: {  	s3 =	ssub.s32 $0x0, s20;
	[sflag:s22] =	ssyncset.done $0x0  }
0xa0: {  	[sflag:s22] =	ssyncadd.s32 s3;
	_ =	sdelay $0x1  }
0xa1: {  	s23 =	simm.s32 $0x1B8B  }
0xa2: {  	_ =	swait.ge [sflag:s23], $0x1  }
0xa3: {  	[sflag:s23] =	ssyncset.done $0x0  }
0xa4: {  	s25 =	simm.s32 $0x1B8E;
	s24 =	sld [smem:$0x3FFE];
	[sflag:s23] =	ssyncadd.s32 $0xFFFFFFFF  }
0xa5: {  	s26 =	simm.s32 $execute0_lowered;
	[smem:$0x3FD2] =	sst s25  }
0xa6: {  	s4 =	sshll.u32 s26, $0x1;
	_ =	strace $0x80000046;
	[dreg:$0x1] =	wrdreg $0xFFFFFFFF  }
0xa7: {  	s28 =	simm.s32 $_size_execute0_lowered;
	s2 =	sadd.s32 s2, s4;
	[dreg:$0x0] =	wrdreg $0x0  }
0xa8: {  	s4 =	sshll.u32 s28, $0x1;
	[dreg:$0x2] =	wrdreg s2  }
0xa9: {  	[dreg:$0x3] =	wrdreg s4  }
0xaa: {  	[dreg:$0x4] =	wrdreg $0xC0  }
0xab: {  	_ =	task [dreg:s6], $0x5FFFF  }
0xac: {  	[dreg:$0x1] =	wrdreg $0xFFFFFFFF  }
0xad: {  	[dreg:$0x0] =	wrdreg $0x60  }
0xae: {  	[dreg:$0x2] =	wrdreg s24  }
0xaf: {  	[dreg:$0x3] =	wrdreg $0x50000  }
0xb0: {  	[dreg:$0x4] =	wrdreg $0x9  }
0xb1: {  	_ =	task.clear_ibuf [dreg:s6], $0x5FFFF;
	_ =	strace $0x90000046  }
0xb2: {  	s29 =	simm.s32 $0x9;
	_ =	strace $0x80000048  }
0xb3: {  	_ =	swait.ge [sflag:s29], $0x1  }
0xb4: {  	[sflag:s29] =	ssyncadd.s32 $0xFFFFFFFF  }
0xb5: {  	_ =	strace $0x90000048  }
0xb6: {  	_ =	sfence  }
0xb7: {  	s30 =	sld [smem:$0x0];
	_ =	sdelay $0x2  }
0xb8: {  	s31 =	sshll.u32 s1, $0xD;
	s1 =	sshrl.u32 s1, $0x2  }
0xb9: {  	s3 =	sand.u32 $0x4000, s31;
	s1 =	sadd.s32 s1, s30  }
0xba: {  	s0 =	sor.u32 s3, s0;
	s1 =	sshll.u32 s1, $0x11  }
0xbb: {  	s0 =	sor.u32 s1, s0  }
0xbc: {  	s0 =	sadd.s32 $0x8F2B, s0  }
0xbd: {  	[sflag:s0] =	ssyncadd.remote.s32 $0x1  }
0xbe: {  	_ =	sfence.sel $0xFFFF  }
0xbf: {  	[dreg:$0x0] =	wrdreg $0xFFFFFFFF;
	(pc) =	sbr.abs _section_cstart, $3  }
0xc0: {  	[dreg:$0x1] =	wrdreg $0xFFFFFFFF  }
0xc1: {  	_ =	task.clear_ibuf [dreg:s6], $0x2FFFF;
	_ =	strace $0x9FFFFFFF  }
0xc2: {  	(tm) =	ssettm $0x7FFFFFFF  }
0xc3: {  	_ =	shalt  }
tec
execute0_lowered:
.L_overlay_start_1:
0x0: {  	(tag) =	ssettag $0x1  }
0x1: {  	s7 =	rddreg [dreg:$0x0]  }
0x2: {  	s2 =	rddreg [dreg:$0x1]  }
0x3: {  	s0 =	rddreg [dreg:$0x2]  }
0x4: {  	s3 =	simm.s32 $0x0;
	s1 =	stileid.u32;
	s4 =	srdreg.scid  }
0x5: {  	s15 =	simm.s32 $0x800;
	s16 =	simm.s32 $0x80;
	s17 =	simm.s32 $0x1000  }
0x6: {  	s18 =	simm.s32 $0x1;
	[smem:$0x7FF] =	sst s3;
	s8 =	smul.u32 $0x14000, s1  }
0x7: {  	s9 =	sand.u32 $0x1, s4;
	s4 =	sadd.s32 $0x24400, s7;
	s5 =	sadd.s32 $0x6400, s7  }
0x8: {  	s6 =	sadd.s32 $0x1A400, s7;
	s13 =	smul.u32 $0x50000, s1;
	s31 =	sshll.u32 s1, $0x6  }
0x9: {  	_ =	strace $0x80000047;
	s10 =	smul.u32 $0x140000, s9;
	s28 =	ssub.s32 $0x2, s9  }
0xa: {  	s29 =	smul.u32 $0x50000, s9;
	s9 =	sor.u32 $0x1C02, s31;
	s11 =	sshrl.u32 s8, $0x3  }
0xb: {  	s12 =	sshrl.u32 s28, $0x1;
	s30 =	sshrl.u32 s13, $0x2;
	s8 =	sadd.s32 s8, s10  }
0xc: {  	s11 =	sadd.s32 s11, s7;
	s12 =	ssub.s32 s28, s12;
	s8 =	sshrl.u32 s8, $0x3  }
0xd: {  	s13 =	sadd.s32 s30, s2;
	s14 =	sadd.s32 s8, s7;
	s7 =	smul.u32 $0x5000, s1  }
0xe: {  	s12 =	smax.u32 s12, $0x1;
	s13 =	sshrl.u32 s13, $0x3;
	s8 =	sadd.s32 $0x74400, s11  }
0xf: {  	s11 =	sadd.s32 $0x9C400, s14;
	s14 =	simm.s32 $0x2;
	s10 =	sadd.s32 s29, s7  }
.LBB2_1:
0x10: {  	[spmem:s13], [sflag:s9] =	dma.local [hbm:s8], $0x2800  }
0x11: {  	_ =	swait.ge [sflag:s14], $0x2800  }
0x12: {  	[sflag:s14] =	ssyncset.done $0x0  }
0x13: {  	[sflag:s14] =	ssyncadd.s32 $0xFFFFD800  }
0x14: {  	s19 =	simm.s32 $0x0;
	[bflag:$0x0] =	sbarrier.arrive $0xFFFF  }
.LBB2_2:
0x15: {  	s20 =	sshll.u32 s19, $0xB  }
0x16: {  	s21 =	sadd.s32 s10, s20  }
0x17: {  	s21 =	sshrl.u32 s21, $0x3  }
0x18: {  	s22 =	simm.s32 $0x0;
	s21 =	sadd.s32 s5, s21  }
0x19: {  	[tilespmem:s22], [sflag:$0x2] =	stream.linear.gather [hbm4b:s21+s22], $0x800, $0x38;
	[tilespmem:$0x19000] =	vst v63  }
0x1a: {  	s20 =	sadd.s32 s7, s20;
	_ =	swait.ge [sflag:s14], $0x800  }
0x1b: {  	s20 =	sshrl.u32 s20, $0x3;
	[sflag:s14] =	ssyncset.done $0x0  }
0x1c: {  	s20 =	sadd.s32 s6, s20;
	[sflag:s14] =	ssyncadd.s32 $0xFFFFF800  }
0x1d: {  	[tilespmem:s15], [sflag:$0x2] =	stream.linear.gather [hbm4b:s20+s22], $0x800, $0x38;
	[tilespmem:$0x19000] =	vst v63  }
0x1e: {  	_ =	swait.ge [sflag:s14], $0x800  }
0x1f: {  	[sflag:s14] =	ssyncset.done $0x0  }
0x20: {  	s30 =	simm.s32 $0x0;
	[sflag:s14] =	ssyncadd.s32 $0xFFFFF800  }
0x21: {  	[tilespmem:s17], [sflag:$0x1] =	stream.indirect.gather [hbm4b:s4+s16], $0x80, s30, s16, $0xb8;
	[tilespmem:$0x19000] =	vst v63  }
0x22: {  	_ =	swait.ge [sflag:s18], $0x4000  }
0x23: {  	[sflag:s18] =	ssyncset.done $0x0  }
0x24: {  	s31 =	simm.s32 $0x800;
	[sflag:s18] =	ssyncadd.s32 $0xFFFFC000  }
0x25: {  	[spmem:s2] =	stream.indirect.scatter.add.f32 [tilespmem:s17], [sflag:$0x2], $0x80, s31, s16, $0xb8;
	[tilespmem:$0x19000] =	vst v63  }
0x26: {  	_ =	swait.ge [sflag:s14], $0x4000  }
0x27: {  	s21 =	simm.s32 $0x400;
	s20 =	simm.s32 $0x200;
	[sflag:s14] =	ssyncset.done $0x0  }
.LBB2_3:
0x28: {  	s22 =	sshra.s32 s20, $0x2  }
0x29: {  	[sflag:s14] =	ssyncadd.s32 $0xFFFFC000;
	s20 =	smov.u32 s21;
	s23 =	sadd.s32 $0x200, s21  }
0x2a: {  	[tilespmem:s17], [sflag:$0x1] =	stream.indirect.gather [hbm4b:s4+s16], $0x80, s22, s16, $0xb8;
	[tilespmem:$0x19000] =	vst v63  }
0x2b: {  	p0 =	sne.s32 s21, $0x1E00;
	_ =	swait.ge [sflag:s18], $0x4000  }
.Ltmp0:
0x2c: {  	[sflag:s18] =	ssyncset.done $0x0;
	(pc) =	sbr.rel @p0 .LBB2_3-.Ltmp0, $4  }
0x2d: {  	s21 =	sadd.s32 $0x800, s22;
	[sflag:s18] =	ssyncadd.s32 $0xFFFFC000  }
0x2e: {  	[spmem:s2] =	stream.indirect.scatter.add.f32 [tilespmem:s17], [sflag:$0x2], $0x80, s21, s16, $0xb8;
	[tilespmem:$0x19000] =	vst v63  }
0x2f: {  	_ =	swait.ge [sflag:s14], $0x4000  }
0x30: {  	s21 =	smov.u32 s23;
	[sflag:s14] =	ssyncset.done $0x0  }
0x31: {  	s20 =	sshra.s32 s20, $0x2;
	[sflag:s14] =	ssyncadd.s32 $0xFFFFC000  }
0x32: {  	[tilespmem:s17], [sflag:$0x1] =	stream.indirect.gather [hbm4b:s4+s16], $0x80, s20, s16, $0xb8;
	[tilespmem:$0x19000] =	vst v63  }
0x33: {  	s19 =	sadd.s32 $0x1, s19;
	_ =	swait.ge [sflag:s18], $0x4000  }
0x34: {  	p0 =	sne.s32 s19, $0xA;
	[sflag:s18] =	ssyncset.done $0x0  }
.Ltmp1:
0x35: {  	s20 =	sadd.s32 $0x800, s20;
	[sflag:s18] =	ssyncadd.s32 $0xFFFFC000;
	(pc) =	sbr.rel @p0 .LBB2_2-.Ltmp1, $4  }
0x36: {  	[spmem:s2] =	stream.indirect.scatter.add.f32 [tilespmem:s17], [sflag:$0x2], $0x80, s20, s16, $0xb8;
	[tilespmem:$0x19000] =	vst v63  }
0x37: {  	_ =	swait.ge [sflag:s14], $0x4000  }
0x38: {  	[sflag:s14] =	ssyncset.done $0x0  }
0x39: {  	[sflag:s14] =	ssyncadd.s32 $0xFFFFC000  }
0x3a: {  	s3 =	sadd.s32 $0x1, s3  }
0x3b: {  	p0 =	sne.s32 s3, s12  }
.Ltmp2:
0x3c: {  	[bflag:$0x0] =	sbarrier.arrive $0xFFFF;
	(pc) =	sbr.rel @p0 .LBB2_1-.Ltmp2, $4  }
0x3d: {  	[hbm:s11], [sflag:s9] =	dma.local [spmem:s13], $0x2800  }
0x3e: {  	_ =	swait.ge [sflag:s14], $0x2800  }
0x3f: {  	[sflag:s14] =	ssyncset.done $0x0  }
0x40: {  	[sflag:s14] =	ssyncadd.s32 $0xFFFFD800  }
0x41: {  	_ =	sfence.sel $0x180000  }
0x42: {  	[bflag:$0x0] =	sbarrier.arrive $0xFFFF  }
0x43: {  	p0 =	sne.s32 s1, $0x0;
	_ =	strace $0x90000047  }
0x44: {  	s0 =	sadd.s32 @!p0 $0x100000, s0;
	[bflag:$0x2] =	sbarrier.arrive $0xFFFF  }
0x45: {  	[sflag:s0] =	ssyncadd.tile.s32 @!p0 $0x1;
	_ =	shalt  }
.Lfunc_end2:
_tile_overlayer_lowered:
.L_overlay_start_2:
0x46: {  	(tag) =	ssettag $0x2  }
0x47: {  	s0 =	rddreg [dreg:$0x0];
	s2 =	stileid.u32  }
0x48: {  	s1 =	rddreg [dreg:$0x1];
	p0 =	sne.s32 s2, $0x0  }
0x49: {  	s3 =	rddreg [dreg:$0x2];
	[bflag:$0x3] =	sbarrier.arrive $0xFFFF;
	s2 =	simm.s32 @!p0 $0x1C02  }
0x4a: {  	[timem:s3], [sflag:s2] =	dma.local @!p0 [hbm:s0], s1  }
0x4b: {  	s0 =	simm.s32 @!p0 $0x2  }
0x4c: {  	_ =	swait.ge @!p0 [sflag:s0], s1  }
0x4d: {  	s1 =	ssub.s32 @!p0 $0x0, s1;
	[sflag:s0] =	ssyncset.done @!p0 $0x0  }
0x4e: {  	[sflag:s0] =	ssyncadd.s32 @!p0 s1  }
0x4f: {  	[bflag:$0x3] =	sbarrier.arrive $0xFFFF  }
0x50: {  	_ =	shalt  }

// kernel: kernel.13.cloned.1.call-start
scs
__scs_entry_jumppad:
0x0: {  	(pc) =	sbr.rel $0x88, $3  }
0x1: {  	(tag) =	ssettag $0x0;
	lr =	simm.s32 $0x1  }
0x2: {  	[smem:$0x3F76] =	sst lr;
	_ =	strace $0xD0000000  }
0x3: {  	_ = 	snop  }
0x4: {  	_ = 	snop  }
0x5: {  	_ = 	snop  }
0x6: {  	_ = 	snop  }
0x7: {  	_ = 	snop  }
__scs_overlays_trampoline_lowered:
0x8: {  	[smem:$0x3F85] =	sst s0  }
0x9: {  	[smem:$0x3F86] =	sst s1  }
0xa: {  	[smem:$0x3F87] =	sst s2  }
0xb: {  	[smem:$0x3F88] =	sst s3  }
0xc: {  	[smem:$0x3F89] =	sst s4  }
0xd: {  	[smem:$0x3F8A] =	sst s5  }
0xe: {  	[smem:$0x3F8B] =	sst s6  }
0xf: {  	[smem:$0x3F8C] =	sst s7  }
0x10: {  	[smem:$0x3F8D] =	sst s8  }
0x11: {  	[smem:$0x3F8E] =	sst s9;
	s0 =	simm.s32 @!p0 $0x0  }
0x12: {  	s1 =	sld [smem:$0x3F74];
	s0 =	simm.s32 @p0 $0x1  }
0x13: {  	[smem:$0x3F8F] =	sst s0;
	s0 =	simm.s32 @!p1 $0x0  }
0x14: {  	s2 =	sld [smem:$0x3F73];
	s0 =	simm.s32 @p1 $0x1  }
0x15: {  	[smem:$0x3F90] =	sst s0;
	s0 =	simm.s32 @!p2 $0x0  }
0x16: {  	s3 =	sld [smem:$0x3FDB];
	s0 =	simm.s32 @p2 $0x1  }
0x17: {  	s4 =	simm.s32 $0x1BF5;
	[smem:$0x3F92] =	sst s0  }
0x18: {  	s0 =	sld [smem:$0x3F75];
	_ =	swait.ge [sflag:s4], $0x0  }
0x19: {  	s7 =	sld [smem:$0x3F76]  }
0x1a: {  	s8 =	sadd.s32 $0xFFFFE003, lr  }
0x1b: {  	s9 =	sadd.s32 $0xFFFFFEF7, lr;
	s5 =	simm.s32 $0xFFFFFFFF;
	p2 =	slt.u32 s8, $0xFFFFF086  }
0x1c: {  	p1 =	slt.u32 s9, $0xF7A;
	s5 =	simm.s32 @!p2 $0x0  }
0x1d: {  	s5 =	simm.s32 @p1 $0x1;
	p0 =	seq.s32 s7, s2  }
0x1e: {  	s7 =	smul.u32 @!p0 $0xF7A, s2;
	p2 =	seq.s32 @!p0 s5, $0x0  }
0x1f: {  	s9 =	smul.u32 $0xF7A, s1;
	s8 =	simm.s32 @!p0 $0x1BF5;
	p2 =	por !p2, p0  }
0x20: {  	[sflag:s8] =	ssyncset.s32 @!p0 $0xFFFFF086;
	s6 =	sadd.s32 @!p0 s3, s7;
	s7 =	simm.s32 @!p0 $0x108  }
0x21: {  	s3 =	sadd.s32 s3, s9;
	s6 =	sadd.s32 @!p0 $0x88, s6;
	s7 =	simm.s32 @p2 $0x1082  }
0x22: {  	[simem:s7], [sflag:s8] =	dma.local @!p0 [hbm:s6], $0xF7A  }
0x23: {  	s9 =	sor.u32 $0xD0000000, s2;
	s6 =	simm.s32 $0x108;
	_ =	swait.ge @!p0 [sflag:s8], $0x0  }
0x24: {  	s3 =	sadd.s32 $0x88, s3;
	s6 =	simm.s32 @!p1 $0x1082;
	[sflag:s4] =	ssyncset.s32 $0xFFFFF086  }
0x25: {  	[simem:s6], [sflag:s4] =	dma.local [hbm:s3], $0xF7A  }
0x26: {  	[smem:$0x3F76] =	sst s1;
	(tag) =	ssettag s2;
	_ =	strace s9  }
0x27: {  	s1 =	sld [smem:$0x3F86]  }
0x28: {  	s2 =	sld [smem:$0x3F87]  }
0x29: {  	s4 =	sld [smem:$0x3F89]  }
0x2a: {  	p0 =	seq.s32 s5, $0x0;
	s5 =	sld [smem:$0x3F8A]  }
0x2b: {  	s6 =	sld [smem:$0x3F8B]  }
0x2c: {  	s7 =	sld [smem:$0x3F8C]  }
0x2d: {  	s3 =	simm.s32 $0x108;
	s8 =	sld [smem:$0x3F8D]  }
0x2e: {  	s3 =	simm.s32 @!p0 $0x1082;
	s9 =	sld [smem:$0x3F8E]  }
0x2f: {  	lr =	sadd.s32 s0, s3;
	s0 =	sld [smem:$0x3F85]  }
0x30: {  	s3 =	sld [smem:$0x3F88]  }
0x31: {  	[smem:$0x3F91] =	sst s10  }
0x32: {  	s10 =	sld [smem:$0x3F8F];
	_ =	sdelay $0x3  }
0x33: {  	p0 =	seq.s32 s10, $0x1;
	s10 =	sld [smem:$0x3F91];
	_ =	sdelay $0x3  }
0x34: {  	[smem:$0x3F91] =	sst s10  }
0x35: {  	s10 =	sld [smem:$0x3F90];
	_ =	sdelay $0x3  }
0x36: {  	p1 =	seq.s32 s10, $0x1;
	s10 =	sld [smem:$0x3F91];
	_ =	sdelay $0x3  }
0x37: {  	[smem:$0x3F91] =	sst s10  }
0x38: {  	s10 =	sld [smem:$0x3F92]  }
0x39: {  	_ = 	snop;
	(pc) =	sbr.ind lr, $3  }
0x3a: {  	_ = 	snop  }
0x3b: {  	_ = 	snop  }
0x3c: {  	p2 =	seq.s32 s10, $0x1;
	s10 =	sld [smem:$0x3F91]  }
0x3d: {  	_ =	shalt  }
0x3e: {  	_ =	shalt  }
0x3f: {  	_ =	shalt  }
0x40: {  	_ =	shalt  }
0x41: {  	_ =	shalt  }
0x42: {  	_ =	shalt  }
0x43: {  	_ =	shalt  }
0x44: {  	_ =	shalt  }
0x45: {  	_ =	shalt  }
0x46: {  	_ =	shalt  }
0x47: {  	_ =	shalt  }
0x48: {  	_ =	shalt  }
0x49: {  	_ =	shalt  }
0x4a: {  	_ =	shalt  }
0x4b: {  	_ =	shalt  }
0x4c: {  	_ =	shalt  }
0x4d: {  	_ =	shalt  }
0x4e: {  	_ =	shalt  }
0x4f: {  	_ =	shalt  }
0x50: {  	_ =	shalt  }
0x51: {  	_ =	shalt  }
0x52: {  	_ =	shalt  }
0x53: {  	_ =	shalt  }
0x54: {  	_ =	shalt  }
0x55: {  	_ =	shalt  }
0x56: {  	_ =	shalt  }
0x57: {  	_ =	shalt  }
0x58: {  	_ =	shalt  }
0x59: {  	_ =	shalt  }
0x5a: {  	_ =	shalt  }
0x5b: {  	_ =	shalt  }
0x5c: {  	_ =	shalt  }
0x5d: {  	_ =	shalt  }
0x5e: {  	_ =	shalt  }
0x5f: {  	_ =	shalt  }
0x60: {  	_ =	shalt  }
0x61: {  	_ =	shalt  }
0x62: {  	_ =	shalt  }
0x63: {  	_ =	shalt  }
0x64: {  	_ =	shalt  }
0x65: {  	_ =	shalt  }
0x66: {  	_ =	shalt  }
0x67: {  	_ =	shalt  }
0x68: {  	_ =	shalt  }
0x69: {  	_ =	shalt  }
0x6a: {  	_ =	shalt  }
0x6b: {  	_ =	shalt  }
0x6c: {  	_ =	shalt  }
0x6d: {  	_ =	shalt  }
0x6e: {  	_ =	shalt  }
0x6f: {  	_ =	shalt  }
0x70: {  	_ =	shalt  }
0x71: {  	_ =	shalt  }
0x72: {  	_ =	shalt  }
0x73: {  	_ =	shalt  }
0x74: {  	_ =	shalt  }
0x75: {  	_ =	shalt  }
0x76: {  	_ =	shalt  }
0x77: {  	_ =	shalt  }
0x78: {  	_ =	shalt  }
0x79: {  	_ =	shalt  }
0x7a: {  	_ =	shalt  }
0x7b: {  	_ =	shalt  }
0x7c: {  	_ =	shalt  }
0x7d: {  	_ =	shalt  }
0x7e: {  	_ =	shalt  }
0x7f: {  	_ =	shalt  }
0x80: {  	_ =	shalt  }
0x81: {  	_ =	shalt  }
0x82: {  	_ =	shalt  }
0x83: {  	_ =	shalt  }
0x84: {  	_ =	shalt  }
0x85: {  	_ =	shalt  }
0x86: {  	_ =	shalt  }
0x87: {  	_ =	shalt  }
.Lfunc_end0:
.L_simem_size_0:
called_computation.1_lowered:
.L_overlay_start_0:
0x88: {  	s2 =	sld [smem:$0x3FD9]  }
0x89: {  	s3 =	sld [smem:$0x3FFE];
	_ =	sdelay $0x1  }
0x8a: {  	s1 =	srdreg.scid  }
0x8b: {  	s0 =	sand.u32 $0x1, s1  }
0x8c: {  	s16 =	sshll.u32 s0, $0xA;
	s2 =	sadd.s32 s3, s2  }
0x8d: {  	s2 =	sadd.s32 s2, s16  }
0x8e: {  	[smem:$0x3F9D] =	sst s2  }
0x8f: {  	_ = 	snop  }
0x90: {  	(tm) =	ssettm $0x1  }
0x91: {  	s17 =	sld [smem:$0x3FFB];
	_ =	sdelay $0x3  }
0x92: {  	_ =	strace s17  }
0x93: {  	s2 =	sld [smem:$0x3FFC];
	_ =	sdelay $0x3  }
0x94: {  	_ =	strace s2  }
0x95: {  	s2 =	sld [smem:$0x3FFD];
	_ =	sdelay $0x3  }
0x96: {  	_ =	strace s2  }
0x97: {  	_ =	strace $0x8FFFFFFF  }
0x98: {  	s18 =	sld [smem:$0x3FDB];
	_ =	sdelay $0x1  }
0x99: {  	s19 =	simm.s32 $_scs_section_size  }
0x9a: {  	s4 =	simm.s32 $_size__tile_overlayer_lowered;
	s5 =	simm.s32 $_tile_overlayer_lowered  }
0x9b: {  	s22 =	simm.s32 $0x1BFF;
	s21 =	sshll.u32 s5, $0x1;
	s2 =	sadd.s32 s19, s18  }
0x9c: {  	s6 =	simm.s32 $0x0;
	s20 =	sshll.u32 s4, $0x1;
	s4 =	sadd.s32 s21, s2  }
0x9d: {  	[timem:s6], [sflag:s22] =	dma.local [hbm:s4], s20  }
0x9e: {  	_ =	swait.ge [sflag:s22], s20  }
0x9f: {  	s3 =	ssub.s32 $0x0, s20;
	[sflag:s22] =	ssyncset.done $0x0  }
0xa0: {  	[sflag:s22] =	ssyncadd.s32 s3;
	_ =	sdelay $0x1  }
0xa1: {  	s23 =	simm.s32 $0x1B8B  }
0xa2: {  	_ =	swait.ge [sflag:s23], $0x1  }
0xa3: {  	[sflag:s23] =	ssyncset.done $0x0  }
0xa4: {  	s25 =	simm.s32 $0x1B8E;
	s24 =	sld [smem:$0x3FFE];
	[sflag:s23] =	ssyncadd.s32 $0xFFFFFFFF  }
0xa5: {  	s26 =	simm.s32 $execute0_lowered;
	[smem:$0x3FD2] =	sst s25  }
0xa6: {  	s4 =	sshll.u32 s26, $0x1;
	_ =	strace $0x80000049;
	[dreg:$0x1] =	wrdreg $0xFFFFFFFF  }
0xa7: {  	s28 =	simm.s32 $_size_execute0_lowered;
	s2 =	sadd.s32 s2, s4;
	[dreg:$0x0] =	wrdreg $0x0  }
0xa8: {  	s4 =	sshll.u32 s28, $0x1;
	[dreg:$0x2] =	wrdreg s2  }
0xa9: {  	[dreg:$0x3] =	wrdreg s4  }
0xaa: {  	[dreg:$0x4] =	wrdreg $0xC0  }
0xab: {  	_ =	task [dreg:s6], $0x5FFFF  }
0xac: {  	[dreg:$0x1] =	wrdreg $0xFFFFFFFF  }
0xad: {  	[dreg:$0x0] =	wrdreg $0x60  }
0xae: {  	[dreg:$0x2] =	wrdreg s24  }
0xaf: {  	[dreg:$0x3] =	wrdreg $0x50000  }
0xb0: {  	[dreg:$0x4] =	wrdreg $0x9  }
0xb1: {  	_ =	task.clear_ibuf [dreg:s6], $0x5FFFF;
	_ =	strace $0x90000049  }
0xb2: {  	s29 =	simm.s32 $0x9;
	_ =	strace $0x8000004B  }
0xb3: {  	_ =	swait.ge [sflag:s29], $0x1  }
0xb4: {  	[sflag:s29] =	ssyncadd.s32 $0xFFFFFFFF  }
0xb5: {  	_ =	strace $0x9000004B  }
0xb6: {  	_ =	sfence  }
0xb7: {  	s30 =	sld [smem:$0x0];
	_ =	sdelay $0x2  }
0xb8: {  	s31 =	sshll.u32 s1, $0xD;
	s1 =	sshrl.u32 s1, $0x2  }
0xb9: {  	s3 =	sand.u32 $0x4000, s31;
	s1 =	sadd.s32 s1, s30  }
0xba: {  	s0 =	sor.u32 s3, s0;
	s1 =	sshll.u32 s1, $0x11  }
0xbb: {  	s0 =	sor.u32 s1, s0  }
0xbc: {  	s0 =	sadd.s32 $0x8F2B, s0  }
0xbd: {  	[sflag:s0] =	ssyncadd.remote.s32 $0x1  }
0xbe: {  	_ =	sfence.sel $0xFFFF  }
0xbf: {  	[dreg:$0x0] =	wrdreg $0xFFFFFFFF;
	(pc) =	sbr.abs _section_cstart, $3  }
0xc0: {  	[dreg:$0x1] =	wrdreg $0xFFFFFFFF  }
0xc1: {  	_ =	task.clear_ibuf [dreg:s6], $0x2FFFF;
	_ =	strace $0x9FFFFFFF  }
0xc2: {  	(tm) =	ssettm $0x7FFFFFFF  }
0xc3: {  	_ =	shalt  }
tec
execute0_lowered:
.L_overlay_start_1:
0x0: {  	(tag) =	ssettag $0x1  }
0x1: {  	s7 =	rddreg [dreg:$0x0]  }
0x2: {  	s2 =	rddreg [dreg:$0x1]  }
0x3: {  	s0 =	rddreg [dreg:$0x2]  }
0x4: {  	s3 =	simm.s32 $0x0;
	s1 =	stileid.u32;
	s4 =	srdreg.scid  }
0x5: {  	s15 =	simm.s32 $0x800;
	s16 =	simm.s32 $0x80;
	s17 =	simm.s32 $0x1000  }
0x6: {  	s18 =	simm.s32 $0x1;
	[smem:$0x7FF] =	sst s3;
	s8 =	smul.u32 $0x14000, s1  }
0x7: {  	s9 =	sand.u32 $0x1, s4;
	s4 =	sadd.s32 $0x24400, s7;
	s5 =	sadd.s32 $0x6400, s7  }
0x8: {  	s6 =	sadd.s32 $0x1A400, s7;
	s13 =	smul.u32 $0x50000, s1;
	s31 =	sshll.u32 s1, $0x6  }
0x9: {  	_ =	strace $0x8000004A;
	s10 =	smul.u32 $0x140000, s9;
	s28 =	ssub.s32 $0x2, s9  }
0xa: {  	s29 =	smul.u32 $0x50000, s9;
	s9 =	sor.u32 $0x1C02, s31;
	s11 =	sshrl.u32 s8, $0x3  }
0xb: {  	s12 =	sshrl.u32 s28, $0x1;
	s30 =	sshrl.u32 s13, $0x2;
	s8 =	sadd.s32 s8, s10  }
0xc: {  	s11 =	sadd.s32 s11, s7;
	s12 =	ssub.s32 s28, s12;
	s8 =	sshrl.u32 s8, $0x3  }
0xd: {  	s13 =	sadd.s32 s30, s2;
	s14 =	sadd.s32 s8, s7;
	s7 =	smul.u32 $0x5000, s1  }
0xe: {  	s12 =	smax.u32 s12, $0x1;
	s13 =	sshrl.u32 s13, $0x3;
	s8 =	sadd.s32 $0x74400, s11  }
0xf: {  	s11 =	sadd.s32 $0xC4400, s14;
	s14 =	simm.s32 $0x2;
	s10 =	sadd.s32 s29, s7  }
.LBB2_1:
0x10: {  	[spmem:s13], [sflag:s9] =	dma.local [hbm:s8], $0x2800  }
0x11: {  	_ =	swait.ge [sflag:s14], $0x2800  }
0x12: {  	[sflag:s14] =	ssyncset.done $0x0  }
0x13: {  	[sflag:s14] =	ssyncadd.s32 $0xFFFFD800  }
0x14: {  	s19 =	simm.s32 $0x0;
	[bflag:$0x0] =	sbarrier.arrive $0xFFFF  }
.LBB2_2:
0x15: {  	s20 =	sshll.u32 s19, $0xB  }
0x16: {  	s21 =	sadd.s32 s10, s20  }
0x17: {  	s21 =	sshrl.u32 s21, $0x3  }
0x18: {  	s22 =	simm.s32 $0x0;
	s21 =	sadd.s32 s5, s21  }
0x19: {  	[tilespmem:s22], [sflag:$0x2] =	stream.linear.gather [hbm4b:s21+s22], $0x800, $0x38;
	[tilespmem:$0x19000] =	vst v63  }
0x1a: {  	s20 =	sadd.s32 s7, s20;
	_ =	swait.ge [sflag:s14], $0x800  }
0x1b: {  	s20 =	sshrl.u32 s20, $0x3;
	[sflag:s14] =	ssyncset.done $0x0  }
0x1c: {  	s20 =	sadd.s32 s6, s20;
	[sflag:s14] =	ssyncadd.s32 $0xFFFFF800  }
0x1d: {  	[tilespmem:s15], [sflag:$0x2] =	stream.linear.gather [hbm4b:s20+s22], $0x800, $0x38;
	[tilespmem:$0x19000] =	vst v63  }
0x1e: {  	_ =	swait.ge [sflag:s14], $0x800  }
0x1f: {  	[sflag:s14] =	ssyncset.done $0x0  }
0x20: {  	s30 =	simm.s32 $0x0;
	[sflag:s14] =	ssyncadd.s32 $0xFFFFF800  }
0x21: {  	[tilespmem:s17], [sflag:$0x1] =	stream.indirect.gather [hbm4b:s4+s16], $0x80, s30, s16, $0xb8;
	[tilespmem:$0x19000] =	vst v63  }
0x22: {  	_ =	swait.ge [sflag:s18], $0x4000  }
0x23: {  	[sflag:s18] =	ssyncset.done $0x0  }
0x24: {  	s31 =	simm.s32 $0x800;
	[sflag:s18] =	ssyncadd.s32 $0xFFFFC000  }
0x25: {  	[spmem:s2] =	stream.indirect.scatter.add.f32 [tilespmem:s17], [sflag:$0x2], $0x80, s31, s16, $0xb8;
	[tilespmem:$0x19000] =	vst v63  }
0x26: {  	_ =	swait.ge [sflag:s14], $0x4000  }
0x27: {  	s21 =	simm.s32 $0x400;
	s20 =	simm.s32 $0x200;
	[sflag:s14] =	ssyncset.done $0x0  }
.LBB2_3:
0x28: {  	s22 =	sshra.s32 s20, $0x2  }
0x29: {  	[sflag:s14] =	ssyncadd.s32 $0xFFFFC000;
	s20 =	smov.u32 s21;
	s23 =	sadd.s32 $0x200, s21  }
0x2a: {  	[tilespmem:s17], [sflag:$0x1] =	stream.indirect.gather [hbm4b:s4+s16], $0x80, s22, s16, $0xb8;
	[tilespmem:$0x19000] =	vst v63  }
0x2b: {  	p0 =	sne.s32 s21, $0x1E00;
	_ =	swait.ge [sflag:s18], $0x4000  }
.Ltmp0:
0x2c: {  	[sflag:s18] =	ssyncset.done $0x0;
	(pc) =	sbr.rel @p0 .LBB2_3-.Ltmp0, $4  }
0x2d: {  	s21 =	sadd.s32 $0x800, s22;
	[sflag:s18] =	ssyncadd.s32 $0xFFFFC000  }
0x2e: {  	[spmem:s2] =	stream.indirect.scatter.add.f32 [tilespmem:s17], [sflag:$0x2], $0x80, s21, s16, $0xb8;
	[tilespmem:$0x19000] =	vst v63  }
0x2f: {  	_ =	swait.ge [sflag:s14], $0x4000  }
0x30: {  	s21 =	smov.u32 s23;
	[sflag:s14] =	ssyncset.done $0x0  }
0x31: {  	s20 =	sshra.s32 s20, $0x2;
	[sflag:s14] =	ssyncadd.s32 $0xFFFFC000  }
0x32: {  	[tilespmem:s17], [sflag:$0x1] =	stream.indirect.gather [hbm4b:s4+s16], $0x80, s20, s16, $0xb8;
	[tilespmem:$0x19000] =	vst v63  }
0x33: {  	s19 =	sadd.s32 $0x1, s19;
	_ =	swait.ge [sflag:s18], $0x4000  }
0x34: {  	p0 =	sne.s32 s19, $0xA;
	[sflag:s18] =	ssyncset.done $0x0  }
.Ltmp1:
0x35: {  	s20 =	sadd.s32 $0x800, s20;
	[sflag:s18] =	ssyncadd.s32 $0xFFFFC000;
	(pc) =	sbr.rel @p0 .LBB2_2-.Ltmp1, $4  }
0x36: {  	[spmem:s2] =	stream.indirect.scatter.add.f32 [tilespmem:s17], [sflag:$0x2], $0x80, s20, s16, $0xb8;
	[tilespmem:$0x19000] =	vst v63  }
0x37: {  	_ =	swait.ge [sflag:s14], $0x4000  }
0x38: {  	[sflag:s14] =	ssyncset.done $0x0  }
0x39: {  	[sflag:s14] =	ssyncadd.s32 $0xFFFFC000  }
0x3a: {  	s3 =	sadd.s32 $0x1, s3  }
0x3b: {  	p0 =	sne.s32 s3, s12  }
.Ltmp2:
0x3c: {  	[bflag:$0x0] =	sbarrier.arrive $0xFFFF;
	(pc) =	sbr.rel @p0 .LBB2_1-.Ltmp2, $4  }
0x3d: {  	[hbm:s11], [sflag:s9] =	dma.local [spmem:s13], $0x2800  }
0x3e: {  	_ =	swait.ge [sflag:s14], $0x2800  }
0x3f: {  	[sflag:s14] =	ssyncset.done $0x0  }
0x40: {  	[sflag:s14] =	ssyncadd.s32 $0xFFFFD800  }
0x41: {  	_ =	sfence.sel $0x180000  }
0x42: {  	[bflag:$0x0] =	sbarrier.arrive $0xFFFF  }
0x43: {  	p0 =	sne.s32 s1, $0x0;
	_ =	strace $0x9000004A  }
0x44: {  	s0 =	sadd.s32 @!p0 $0x100000, s0;
	[bflag:$0x2] =	sbarrier.arrive $0xFFFF  }
0x45: {  	[sflag:s0] =	ssyncadd.tile.s32 @!p0 $0x1;
	_ =	shalt  }
.Lfunc_end2:
_tile_overlayer_lowered:
.L_overlay_start_2:
0x46: {  	(tag) =	ssettag $0x2  }
0x47: {  	s0 =	rddreg [dreg:$0x0];
	s2 =	stileid.u32  }
0x48: {  	s1 =	rddreg [dreg:$0x1];
	p0 =	sne.s32 s2, $0x0  }
0x49: {  	s3 =	rddreg [dreg:$0x2];
	[bflag:$0x3] =	sbarrier.arrive $0xFFFF;
	s2 =	simm.s32 @!p0 $0x1C02  }
0x4a: {  	[timem:s3], [sflag:s2] =	dma.local @!p0 [hbm:s0], s1  }
0x4b: {  	s0 =	simm.s32 @!p0 $0x2  }
0x4c: {  	_ =	swait.ge @!p0 [sflag:s0], s1  }
0x4d: {  	s1 =	ssub.s32 @!p0 $0x0, s1;
	[sflag:s0] =	ssyncset.done @!p0 $0x0  }
0x4e: {  	[sflag:s0] =	ssyncadd.s32 @!p0 s1  }
0x4f: {  	[bflag:$0x3] =	sbarrier.arrive $0xFFFF  }
0x50: {  	_ =	shalt  }

// kernel: kernel.16.cloned.1.call-start
scs
__scs_entry_jumppad:
0x0: {  	(pc) =	sbr.rel $0x88, $3  }
0x1: {  	(tag) =	ssettag $0x0;
	lr =	simm.s32 $0x1  }
0x2: {  	[smem:$0x3F76] =	sst lr;
	_ =	strace $0xD0000000  }
0x3: {  	_ = 	snop  }
0x4: {  	_ = 	snop  }
0x5: {  	_ = 	snop  }
0x6: {  	_ = 	snop  }
0x7: {  	_ = 	snop  }
__scs_overlays_trampoline_lowered:
0x8: {  	[smem:$0x3F85] =	sst s0  }
0x9: {  	[smem:$0x3F86] =	sst s1  }
0xa: {  	[smem:$0x3F87] =	sst s2  }
0xb: {  	[smem:$0x3F88] =	sst s3  }
0xc: {  	[smem:$0x3F89] =	sst s4  }
0xd: {  	[smem:$0x3F8A] =	sst s5  }
0xe: {  	[smem:$0x3F8B] =	sst s6  }
0xf: {  	[smem:$0x3F8C] =	sst s7  }
0x10: {  	[smem:$0x3F8D] =	sst s8  }
0x11: {  	[smem:$0x3F8E] =	sst s9;
	s0 =	simm.s32 @!p0 $0x0  }
0x12: {  	s1 =	sld [smem:$0x3F74];
	s0 =	simm.s32 @p0 $0x1  }
0x13: {  	[smem:$0x3F8F] =	sst s0;
	s0 =	simm.s32 @!p1 $0x0  }
0x14: {  	s2 =	sld [smem:$0x3F73];
	s0 =	simm.s32 @p1 $0x1  }
0x15: {  	[smem:$0x3F90] =	sst s0;
	s0 =	simm.s32 @!p2 $0x0  }
0x16: {  	s3 =	sld [smem:$0x3FDB];
	s0 =	simm.s32 @p2 $0x1  }
0x17: {  	s4 =	simm.s32 $0x1BF5;
	[smem:$0x3F92] =	sst s0  }
0x18: {  	s0 =	sld [smem:$0x3F75];
	_ =	swait.ge [sflag:s4], $0x0  }
0x19: {  	s7 =	sld [smem:$0x3F76]  }
0x1a: {  	s8 =	sadd.s32 $0xFFFFE003, lr  }
0x1b: {  	s9 =	sadd.s32 $0xFFFFFEF7, lr;
	s5 =	simm.s32 $0xFFFFFFFF;
	p2 =	slt.u32 s8, $0xFFFFF086  }
0x1c: {  	p1 =	slt.u32 s9, $0xF7A;
	s5 =	simm.s32 @!p2 $0x0  }
0x1d: {  	s5 =	simm.s32 @p1 $0x1;
	p0 =	seq.s32 s7, s2  }
0x1e: {  	s7 =	smul.u32 @!p0 $0xF7A, s2;
	p2 =	seq.s32 @!p0 s5, $0x0  }
0x1f: {  	s9 =	smul.u32 $0xF7A, s1;
	s8 =	simm.s32 @!p0 $0x1BF5;
	p2 =	por !p2, p0  }
0x20: {  	[sflag:s8] =	ssyncset.s32 @!p0 $0xFFFFF086;
	s6 =	sadd.s32 @!p0 s3, s7;
	s7 =	simm.s32 @!p0 $0x108  }
0x21: {  	s3 =	sadd.s32 s3, s9;
	s6 =	sadd.s32 @!p0 $0x88, s6;
	s7 =	simm.s32 @p2 $0x1082  }
0x22: {  	[simem:s7], [sflag:s8] =	dma.local @!p0 [hbm:s6], $0xF7A  }
0x23: {  	s9 =	sor.u32 $0xD0000000, s2;
	s6 =	simm.s32 $0x108;
	_ =	swait.ge @!p0 [sflag:s8], $0x0  }
0x24: {  	s3 =	sadd.s32 $0x88, s3;
	s6 =	simm.s32 @!p1 $0x1082;
	[sflag:s4] =	ssyncset.s32 $0xFFFFF086  }
0x25: {  	[simem:s6], [sflag:s4] =	dma.local [hbm:s3], $0xF7A  }
0x26: {  	[smem:$0x3F76] =	sst s1;
	(tag) =	ssettag s2;
	_ =	strace s9  }
0x27: {  	s1 =	sld [smem:$0x3F86]  }
0x28: {  	s2 =	sld [smem:$0x3F87]  }
0x29: {  	s4 =	sld [smem:$0x3F89]  }
0x2a: {  	p0 =	seq.s32 s5, $0x0;
	s5 =	sld [smem:$0x3F8A]  }
0x2b: {  	s6 =	sld [smem:$0x3F8B]  }
0x2c: {  	s7 =	sld [smem:$0x3F8C]  }
0x2d: {  	s3 =	simm.s32 $0x108;
	s8 =	sld [smem:$0x3F8D]  }
0x2e: {  	s3 =	simm.s32 @!p0 $0x1082;
	s9 =	sld [smem:$0x3F8E]  }
0x2f: {  	lr =	sadd.s32 s0, s3;
	s0 =	sld [smem:$0x3F85]  }
0x30: {  	s3 =	sld [smem:$0x3F88]  }
0x31: {  	[smem:$0x3F91] =	sst s10  }
0x32: {  	s10 =	sld [smem:$0x3F8F];
	_ =	sdelay $0x3  }
0x33: {  	p0 =	seq.s32 s10, $0x1;
	s10 =	sld [smem:$0x3F91];
	_ =	sdelay $0x3  }
0x34: {  	[smem:$0x3F91] =	sst s10  }
0x35: {  	s10 =	sld [smem:$0x3F90];
	_ =	sdelay $0x3  }
0x36: {  	p1 =	seq.s32 s10, $0x1;
	s10 =	sld [smem:$0x3F91];
	_ =	sdelay $0x3  }
0x37: {  	[smem:$0x3F91] =	sst s10  }
0x38: {  	s10 =	sld [smem:$0x3F92]  }
0x39: {  	_ = 	snop;
	(pc) =	sbr.ind lr, $3  }
0x3a: {  	_ = 	snop  }
0x3b: {  	_ = 	snop  }
0x3c: {  	p2 =	seq.s32 s10, $0x1;
	s10 =	sld [smem:$0x3F91]  }
0x3d: {  	_ =	shalt  }
0x3e: {  	_ =	shalt  }
0x3f: {  	_ =	shalt  }
0x40: {  	_ =	shalt  }
0x41: {  	_ =	shalt  }
0x42: {  	_ =	shalt  }
0x43: {  	_ =	shalt  }
0x44: {  	_ =	shalt  }
0x45: {  	_ =	shalt  }
0x46: {  	_ =	shalt  }
0x47: {  	_ =	shalt  }
0x48: {  	_ =	shalt  }
0x49: {  	_ =	shalt  }
0x4a: {  	_ =	shalt  }
0x4b: {  	_ =	shalt  }
0x4c: {  	_ =	shalt  }
0x4d: {  	_ =	shalt  }
0x4e: {  	_ =	shalt  }
0x4f: {  	_ =	shalt  }
0x50: {  	_ =	shalt  }
0x51: {  	_ =	shalt  }
0x52: {  	_ =	shalt  }
0x53: {  	_ =	shalt  }
0x54: {  	_ =	shalt  }
0x55: {  	_ =	shalt  }
0x56: {  	_ =	shalt  }
0x57: {  	_ =	shalt  }
0x58: {  	_ =	shalt  }
0x59: {  	_ =	shalt  }
0x5a: {  	_ =	shalt  }
0x5b: {  	_ =	shalt  }
0x5c: {  	_ =	shalt  }
0x5d: {  	_ =	shalt  }
0x5e: {  	_ =	shalt  }
0x5f: {  	_ =	shalt  }
0x60: {  	_ =	shalt  }
0x61: {  	_ =	shalt  }
0x62: {  	_ =	shalt  }
0x63: {  	_ =	shalt  }
0x64: {  	_ =	shalt  }
0x65: {  	_ =	shalt  }
0x66: {  	_ =	shalt  }
0x67: {  	_ =	shalt  }
0x68: {  	_ =	shalt  }
0x69: {  	_ =	shalt  }
0x6a: {  	_ =	shalt  }
0x6b: {  	_ =	shalt  }
0x6c: {  	_ =	shalt  }
0x6d: {  	_ =	shalt  }
0x6e: {  	_ =	shalt  }
0x6f: {  	_ =	shalt  }
0x70: {  	_ =	shalt  }
0x71: {  	_ =	shalt  }
0x72: {  	_ =	shalt  }
0x73: {  	_ =	shalt  }
0x74: {  	_ =	shalt  }
0x75: {  	_ =	shalt  }
0x76: {  	_ =	shalt  }
0x77: {  	_ =	shalt  }
0x78: {  	_ =	shalt  }
0x79: {  	_ =	shalt  }
0x7a: {  	_ =	shalt  }
0x7b: {  	_ =	shalt  }
0x7c: {  	_ =	shalt  }
0x7d: {  	_ =	shalt  }
0x7e: {  	_ =	shalt  }
0x7f: {  	_ =	shalt  }
0x80: {  	_ =	shalt  }
0x81: {  	_ =	shalt  }
0x82: {  	_ =	shalt  }
0x83: {  	_ =	shalt  }
0x84: {  	_ =	shalt  }
0x85: {  	_ =	shalt  }
0x86: {  	_ =	shalt  }
0x87: {  	_ =	shalt  }
.Lfunc_end0:
.L_simem_size_0:
called_computation.2_lowered:
.L_overlay_start_0:
0x88: {  	s2 =	sld [smem:$0x3FD9]  }
0x89: {  	s3 =	sld [smem:$0x3FFE];
	_ =	sdelay $0x1  }
0x8a: {  	s1 =	srdreg.scid  }
0x8b: {  	s0 =	sand.u32 $0x1, s1  }
0x8c: {  	s16 =	sshll.u32 s0, $0xA;
	s2 =	sadd.s32 s3, s2  }
0x8d: {  	s2 =	sadd.s32 s2, s16  }
0x8e: {  	[smem:$0x3F9D] =	sst s2  }
0x8f: {  	_ = 	snop  }
0x90: {  	(tm) =	ssettm $0x1  }
0x91: {  	s17 =	sld [smem:$0x3FFB];
	_ =	sdelay $0x3  }
0x92: {  	_ =	strace s17  }
0x93: {  	s2 =	sld [smem:$0x3FFC];
	_ =	sdelay $0x3  }
0x94: {  	_ =	strace s2  }
0x95: {  	s2 =	sld [smem:$0x3FFD];
	_ =	sdelay $0x3  }
0x96: {  	_ =	strace s2  }
0x97: {  	_ =	strace $0x8FFFFFFF  }
0x98: {  	s18 =	sld [smem:$0x3FDB];
	_ =	sdelay $0x1  }
0x99: {  	s19 =	simm.s32 $_scs_section_size  }
0x9a: {  	s4 =	simm.s32 $_size__tile_overlayer_lowered;
	s5 =	simm.s32 $_tile_overlayer_lowered  }
0x9b: {  	s22 =	simm.s32 $0x1BFF;
	s21 =	sshll.u32 s5, $0x1;
	s2 =	sadd.s32 s19, s18  }
0x9c: {  	s6 =	simm.s32 $0x0;
	s20 =	sshll.u32 s4, $0x1;
	s4 =	sadd.s32 s21, s2  }
0x9d: {  	[timem:s6], [sflag:s22] =	dma.local [hbm:s4], s20  }
0x9e: {  	_ =	swait.ge [sflag:s22], s20  }
0x9f: {  	s3 =	ssub.s32 $0x0, s20;
	[sflag:s22] =	ssyncset.done $0x0  }
0xa0: {  	[sflag:s22] =	ssyncadd.s32 s3;
	_ =	sdelay $0x1  }
0xa1: {  	s23 =	simm.s32 $0x1B8B  }
0xa2: {  	_ =	swait.ge [sflag:s23], $0x1  }
0xa3: {  	[sflag:s23] =	ssyncset.done $0x0  }
0xa4: {  	s25 =	simm.s32 $0x1B8E;
	s24 =	sld [smem:$0x3FFE];
	[sflag:s23] =	ssyncadd.s32 $0xFFFFFFFF  }
0xa5: {  	s26 =	simm.s32 $execute0_lowered;
	[smem:$0x3FD2] =	sst s25  }
0xa6: {  	s4 =	sshll.u32 s26, $0x1;
	_ =	strace $0x8000004C;
	[dreg:$0x1] =	wrdreg $0xFFFFFFFF  }
0xa7: {  	s28 =	simm.s32 $_size_execute0_lowered;
	s2 =	sadd.s32 s2, s4;
	[dreg:$0x0] =	wrdreg $0x0  }
0xa8: {  	s4 =	sshll.u32 s28, $0x1;
	[dreg:$0x2] =	wrdreg s2  }
0xa9: {  	[dreg:$0x3] =	wrdreg s4  }
0xaa: {  	[dreg:$0x4] =	wrdreg $0xC0  }
0xab: {  	_ =	task [dreg:s6], $0x5FFFF  }
0xac: {  	[dreg:$0x1] =	wrdreg $0xFFFFFFFF  }
0xad: {  	[dreg:$0x0] =	wrdreg $0x60  }
0xae: {  	[dreg:$0x2] =	wrdreg s24  }
0xaf: {  	[dreg:$0x3] =	wrdreg $0x50000  }
0xb0: {  	[dreg:$0x4] =	wrdreg $0x9  }
0xb1: {  	_ =	task.clear_ibuf [dreg:s6], $0x5FFFF;
	_ =	strace $0x9000004C  }
0xb2: {  	s29 =	simm.s32 $0x9;
	_ =	strace $0x8000004E  }
0xb3: {  	_ =	swait.ge [sflag:s29], $0x1  }
0xb4: {  	[sflag:s29] =	ssyncadd.s32 $0xFFFFFFFF  }
0xb5: {  	_ =	strace $0x9000004E  }
0xb6: {  	_ =	sfence  }
0xb7: {  	s30 =	sld [smem:$0x0];
	_ =	sdelay $0x2  }
0xb8: {  	s31 =	sshll.u32 s1, $0xD;
	s1 =	sshrl.u32 s1, $0x2  }
0xb9: {  	s3 =	sand.u32 $0x4000, s31;
	s1 =	sadd.s32 s1, s30  }
0xba: {  	s0 =	sor.u32 s3, s0;
	s1 =	sshll.u32 s1, $0x11  }
0xbb: {  	s0 =	sor.u32 s1, s0  }
0xbc: {  	s0 =	sadd.s32 $0x8F2B, s0  }
0xbd: {  	[sflag:s0] =	ssyncadd.remote.s32 $0x1  }
0xbe: {  	_ =	sfence.sel $0xFFFF  }
0xbf: {  	[dreg:$0x0] =	wrdreg $0xFFFFFFFF;
	(pc) =	sbr.abs _section_cstart, $3  }
0xc0: {  	[dreg:$0x1] =	wrdreg $0xFFFFFFFF  }
0xc1: {  	_ =	task.clear_ibuf [dreg:s6], $0x2FFFF;
	_ =	strace $0x9FFFFFFF  }
0xc2: {  	(tm) =	ssettm $0x7FFFFFFF  }
0xc3: {  	_ =	shalt  }
tec
execute0_lowered:
.L_overlay_start_1:
0x0: {  	(tag) =	ssettag $0x1  }
0x1: {  	s7 =	rddreg [dreg:$0x0]  }
0x2: {  	s2 =	rddreg [dreg:$0x1]  }
0x3: {  	s0 =	rddreg [dreg:$0x2]  }
0x4: {  	s3 =	simm.s32 $0x0;
	s1 =	stileid.u32;
	s4 =	srdreg.scid  }
0x5: {  	s15 =	simm.s32 $0x800;
	s16 =	simm.s32 $0x80;
	s17 =	simm.s32 $0x1000  }
0x6: {  	s18 =	simm.s32 $0x1;
	[smem:$0x7FF] =	sst s3;
	s8 =	smul.u32 $0x14000, s1  }
0x7: {  	s9 =	sand.u32 $0x1, s4;
	s4 =	sadd.s32 $0x24400, s7;
	s5 =	sadd.s32 $0x6400, s7  }
0x8: {  	s6 =	sadd.s32 $0x1A400, s7;
	s13 =	smul.u32 $0x50000, s1;
	s31 =	sshll.u32 s1, $0x6  }
0x9: {  	_ =	strace $0x8000004D;
	s10 =	smul.u32 $0x140000, s9;
	s28 =	ssub.s32 $0x2, s9  }
0xa: {  	s29 =	smul.u32 $0x50000, s9;
	s9 =	sor.u32 $0x1C02, s31;
	s11 =	sshrl.u32 s8, $0x3  }
0xb: {  	s12 =	sshrl.u32 s28, $0x1;
	s30 =	sshrl.u32 s13, $0x2;
	s8 =	sadd.s32 s8, s10  }
0xc: {  	s11 =	sadd.s32 s11, s7;
	s12 =	ssub.s32 s28, s12;
	s8 =	sshrl.u32 s8, $0x3  }
0xd: {  	s13 =	sadd.s32 s30, s2;
	s14 =	sadd.s32 s8, s7;
	s7 =	smul.u32 $0x5000, s1  }
0xe: {  	s12 =	smax.u32 s12, $0x1;
	s13 =	sshrl.u32 s13, $0x3;
	s8 =	sadd.s32 $0x74400, s11  }
0xf: {  	s11 =	sadd.s32 $0xC4400, s14;
	s14 =	simm.s32 $0x2;
	s10 =	sadd.s32 s29, s7  }
.LBB2_1:
0x10: {  	[spmem:s13], [sflag:s9] =	dma.local [hbm:s8], $0x2800  }
0x11: {  	_ =	swait.ge [sflag:s14], $0x2800  }
0x12: {  	[sflag:s14] =	ssyncset.done $0x0  }
0x13: {  	[sflag:s14] =	ssyncadd.s32 $0xFFFFD800  }
0x14: {  	s19 =	simm.s32 $0x0;
	[bflag:$0x0] =	sbarrier.arrive $0xFFFF  }
.LBB2_2:
0x15: {  	s20 =	sshll.u32 s19, $0xB  }
0x16: {  	s21 =	sadd.s32 s10, s20  }
0x17: {  	s21 =	sshrl.u32 s21, $0x3  }
0x18: {  	s22 =	simm.s32 $0x0;
	s21 =	sadd.s32 s5, s21  }
0x19: {  	[tilespmem:s22], [sflag:$0x2] =	stream.linear.gather [hbm4b:s21+s22], $0x800, $0x38;
	[tilespmem:$0x19000] =	vst v63  }
0x1a: {  	s20 =	sadd.s32 s7, s20;
	_ =	swait.ge [sflag:s14], $0x800  }
0x1b: {  	s20 =	sshrl.u32 s20, $0x3;
	[sflag:s14] =	ssyncset.done $0x0  }
0x1c: {  	s20 =	sadd.s32 s6, s20;
	[sflag:s14] =	ssyncadd.s32 $0xFFFFF800  }
0x1d: {  	[tilespmem:s15], [sflag:$0x2] =	stream.linear.gather [hbm4b:s20+s22], $0x800, $0x38;
	[tilespmem:$0x19000] =	vst v63  }
0x1e: {  	_ =	swait.ge [sflag:s14], $0x800  }
0x1f: {  	[sflag:s14] =	ssyncset.done $0x0  }
0x20: {  	s30 =	simm.s32 $0x0;
	[sflag:s14] =	ssyncadd.s32 $0xFFFFF800  }
0x21: {  	[tilespmem:s17], [sflag:$0x1] =	stream.indirect.gather [hbm4b:s4+s16], $0x80, s30, s16, $0xb8;
	[tilespmem:$0x19000] =	vst v63  }
0x22: {  	_ =	swait.ge [sflag:s18], $0x4000  }
0x23: {  	[sflag:s18] =	ssyncset.done $0x0  }
0x24: {  	s31 =	simm.s32 $0x800;
	[sflag:s18] =	ssyncadd.s32 $0xFFFFC000  }
0x25: {  	[spmem:s2] =	stream.indirect.scatter.add.f32 [tilespmem:s17], [sflag:$0x2], $0x80, s31, s16, $0xb8;
	[tilespmem:$0x19000] =	vst v63  }
0x26: {  	_ =	swait.ge [sflag:s14], $0x4000  }
0x27: {  	s21 =	simm.s32 $0x400;
	s20 =	simm.s32 $0x200;
	[sflag:s14] =	ssyncset.done $0x0  }
.LBB2_3:
0x28: {  	s22 =	sshra.s32 s20, $0x2  }
0x29: {  	[sflag:s14] =	ssyncadd.s32 $0xFFFFC000;
	s20 =	smov.u32 s21;
	s23 =	sadd.s32 $0x200, s21  }
0x2a: {  	[tilespmem:s17], [sflag:$0x1] =	stream.indirect.gather [hbm4b:s4+s16], $0x80, s22, s16, $0xb8;
	[tilespmem:$0x19000] =	vst v63  }
0x2b: {  	p0 =	sne.s32 s21, $0x1E00;
	_ =	swait.ge [sflag:s18], $0x4000  }
.Ltmp0:
0x2c: {  	[sflag:s18] =	ssyncset.done $0x0;
	(pc) =	sbr.rel @p0 .LBB2_3-.Ltmp0, $4  }
0x2d: {  	s21 =	sadd.s32 $0x800, s22;
	[sflag:s18] =	ssyncadd.s32 $0xFFFFC000  }
0x2e: {  	[spmem:s2] =	stream.indirect.scatter.add.f32 [tilespmem:s17], [sflag:$0x2], $0x80, s21, s16, $0xb8;
	[tilespmem:$0x19000] =	vst v63  }
0x2f: {  	_ =	swait.ge [sflag:s14], $0x4000  }
0x30: {  	s21 =	smov.u32 s23;
	[sflag:s14] =	ssyncset.done $0x0  }
0x31: {  	s20 =	sshra.s32 s20, $0x2;
	[sflag:s14] =	ssyncadd.s32 $0xFFFFC000  }
0x32: {  	[tilespmem:s17], [sflag:$0x1] =	stream.indirect.gather [hbm4b:s4+s16], $0x80, s20, s16, $0xb8;
	[tilespmem:$0x19000] =	vst v63  }
0x33: {  	s19 =	sadd.s32 $0x1, s19;
	_ =	swait.ge [sflag:s18], $0x4000  }
0x34: {  	p0 =	sne.s32 s19, $0xA;
	[sflag:s18] =	ssyncset.done $0x0  }
.Ltmp1:
0x35: {  	s20 =	sadd.s32 $0x800, s20;
	[sflag:s18] =	ssyncadd.s32 $0xFFFFC000;
	(pc) =	sbr.rel @p0 .LBB2_2-.Ltmp1, $4  }
0x36: {  	[spmem:s2] =	stream.indirect.scatter.add.f32 [tilespmem:s17], [sflag:$0x2], $0x80, s20, s16, $0xb8;
	[tilespmem:$0x19000] =	vst v63  }
0x37: {  	_ =	swait.ge [sflag:s14], $0x4000  }
0x38: {  	[sflag:s14] =	ssyncset.done $0x0  }
0x39: {  	[sflag:s14] =	ssyncadd.s32 $0xFFFFC000  }
0x3a: {  	s3 =	sadd.s32 $0x1, s3  }
0x3b: {  	p0 =	sne.s32 s3, s12  }
.Ltmp2:
0x3c: {  	[bflag:$0x0] =	sbarrier.arrive $0xFFFF;
	(pc) =	sbr.rel @p0 .LBB2_1-.Ltmp2, $4  }
0x3d: {  	[hbm:s11], [sflag:s9] =	dma.local [spmem:s13], $0x2800  }
0x3e: {  	_ =	swait.ge [sflag:s14], $0x2800  }
0x3f: {  	[sflag:s14] =	ssyncset.done $0x0  }
0x40: {  	[sflag:s14] =	ssyncadd.s32 $0xFFFFD800  }
0x41: {  	_ =	sfence.sel $0x180000  }
0x42: {  	[bflag:$0x0] =	sbarrier.arrive $0xFFFF  }
0x43: {  	p0 =	sne.s32 s1, $0x0;
	_ =	strace $0x9000004D  }
0x44: {  	s0 =	sadd.s32 @!p0 $0x100000, s0;
	[bflag:$0x2] =	sbarrier.arrive $0xFFFF  }
0x45: {  	[sflag:s0] =	ssyncadd.tile.s32 @!p0 $0x1;
	_ =	shalt  }
.Lfunc_end2:
_tile_overlayer_lowered:
.L_overlay_start_2:
0x46: {  	(tag) =	ssettag $0x2  }
0x47: {  	s0 =	rddreg [dreg:$0x0];
	s2 =	stileid.u32  }
0x48: {  	s1 =	rddreg [dreg:$0x1];
	p0 =	sne.s32 s2, $0x0  }
0x49: {  	s3 =	rddreg [dreg:$0x2];
	[bflag:$0x3] =	sbarrier.arrive $0xFFFF;
	s2 =	simm.s32 @!p0 $0x1C02  }
0x4a: {  	[timem:s3], [sflag:s2] =	dma.local @!p0 [hbm:s0], s1  }
0x4b: {  	s0 =	simm.s32 @!p0 $0x2  }
0x4c: {  	_ =	swait.ge @!p0 [sflag:s0], s1  }
0x4d: {  	s1 =	ssub.s32 @!p0 $0x0, s1;
	[sflag:s0] =	ssyncset.done @!p0 $0x0  }
0x4e: {  	[sflag:s0] =	ssyncadd.s32 @!p0 s1  }
0x4f: {  	[bflag:$0x3] =	sbarrier.arrive $0xFFFF  }
0x50: {  	_ =	shalt  }

</sc_bundles>
